<compile_context>
chip_gen: v7x
topology: tpu7x:2x2x1
jax: 0.10.2.dev20260603
libtpu: 0.0.44.dev20260713+nightly
codegen_flags: <defaults>
</compile_context>

<pallas_src>
import jax
import jax.numpy as jnp
from jax import lax
from jax.experimental import pallas as pl
from jax.experimental.pallas import tpu as pltpu
from jax.experimental.pallas import tpu_sc as plsc

B = 8
H = 512
W = 512
HW = H * W
R = 15.0
THR = 0.1
MAGIC = 12582912.0
IMAGIC = 0x4B400000

NC = 2
NS = 16
IMGS_PER_SC = B // NC
TILES_PER_IMG = NS // IMGS_PER_SC
TILE_PIX = HW // TILES_PER_IMG
CH = 4096
ROWS_PER_CH = CH // W
NCHUNK = TILE_PIX // CH
GROUPS = CH // 16
HIST_WORDS = IMGS_PER_SC * HW
HIST_SLICE = HIST_WORDS // NS


def _body(kp_hbm, off_hbm, out_hbm, hist_sh, kp_buf, ox_buf, oy_buf,
          idx_buf, w_buf, zbuf, in_sem, sc_sem):
    c = lax.axis_index("c")
    s = lax.axis_index("s")
    b_loc = s // TILES_PER_IMG
    q = s % TILES_PER_IMG
    b = IMGS_PER_SC * c + b_loc
    pix0 = q * TILE_PIX

    iota_f = lax.iota(jnp.int32, 16).astype(jnp.float32)
    base_vec = jnp.full((16,), 1, jnp.int32) * (b_loc * HW)
    zeros16 = jnp.zeros((16,), jnp.float32)

    q_rows = q * (H // TILES_PER_IMG)

    def start_inputs(k, par):
        y0 = q_rows + k * ROWS_PER_CH
        pltpu.async_copy(kp_hbm.at[b, pl.ds(y0, ROWS_PER_CH), :],
                         kp_buf.at[par], in_sem)
        pltpu.async_copy(off_hbm.at[2 * b, pl.ds(y0, ROWS_PER_CH), :],
                         ox_buf.at[par], in_sem)
        pltpu.async_copy(off_hbm.at[2 * b + 1, pl.ds(y0, ROWS_PER_CH), :],
                         oy_buf.at[par], in_sem)

    def wait_inputs(k, par):
        y0 = q_rows + k * ROWS_PER_CH
        pltpu.make_async_copy(kp_hbm.at[b, pl.ds(y0, ROWS_PER_CH), :],
                              kp_buf.at[par], in_sem).wait()
        pltpu.make_async_copy(off_hbm.at[2 * b, pl.ds(y0, ROWS_PER_CH), :],
                              ox_buf.at[par], in_sem).wait()
        pltpu.make_async_copy(off_hbm.at[2 * b + 1, pl.ds(y0, ROWS_PER_CH), :],
                              oy_buf.at[par], in_sem).wait()

    def start_scatters(par):
        pltpu.async_copy(w_buf.at[par, 0], hist_sh.at[idx_buf.at[par, 0]],
                         sc_sem, add=True)

    def wait_scatters(par):
        pltpu.make_async_copy(w_buf.at[par, 0], hist_sh.at[idx_buf.at[par, 0]],
                              sc_sem).wait()

    def compute_chunk(k, par):
        y0 = q_rows + k * ROWS_PER_CH

        @plsc.parallel_loop(0, GROUPS, unroll=8)
        def _compute(g):
            r = g >> 5
            x0 = (g & 31) * 16
            y = y0 + r
            sl = pl.ds(x0, 16)
            ox = ox_buf[par, r, sl]
            oy = oy_buf[par, r, sl]
            w = kp_buf[par, r, sl]
            xf = x0.astype(jnp.float32) + iota_f
            yf = jnp.broadcast_to(y.astype(jnp.float32), (16,))
            ix = lax.bitcast_convert_type((xf + R * ox) + MAGIC,
                                          jnp.int32) - IMAGIC
            iy = lax.bitcast_convert_type((yf + R * oy) + MAGIC,
                                          jnp.int32) - IMAGIC
            inb = ((ix | iy) & ~511) == 0
            contrib = jnp.where((w > THR) & inb, w, 0.0)
            raw = (iy * W + ix)
            idx = base_vec + jnp.minimum(jnp.maximum(raw, 0), HW - 1)
            idx_buf[par, 0, pl.ds(g * 16, 16)] = idx
            w_buf[par, 0, pl.ds(g * 16, 16)] = contrib

    start_inputs(0, 0)

    def zfill(g, _):
        zbuf[pl.ds(g * 16, 16)] = zeros16
        return 0
    lax.fori_loop(0, CH // 16, zfill, 0)
    zdescs = [
        pltpu.async_copy(zbuf, hist_sh.at[pl.ds(s * HIST_SLICE + i * CH, CH)],
                         sc_sem)
        for i in range(HIST_SLICE // CH)
    ]
    for d in zdescs:
        d.wait()
    plsc.subcore_barrier()

    def pair(t, _):
        for pp in range(2):
            k = 2 * t + pp
            pl.when(k + 1 < NCHUNK)(lambda: start_inputs(k + 1, 1 - pp))
            wait_inputs(k, pp)
            pl.when(k >= 2)(lambda: wait_scatters(pp))
            compute_chunk(k, pp)
            start_scatters(pp)
        return 0
    lax.fori_loop(0, NCHUNK // 2, pair, 0)

    for pp in range(2):
        wait_scatters(pp)

    plsc.subcore_barrier()
    out0 = c * HIST_WORDS + s * HIST_SLICE
    pltpu.sync_copy(hist_sh.at[pl.ds(s * HIST_SLICE, HIST_SLICE)],
                    out_hbm.at[pl.ds(out0, HIST_SLICE)])


@jax.jit
def kernel(stem_keypoint_output, stem_offset_output):
    kp = stem_keypoint_output.reshape(B, H, W)
    off = stem_offset_output.reshape(2 * B, H, W)
    mesh = plsc.VectorSubcoreMesh(core_axis_name="c", subcore_axis_name="s")
    votes = pl.kernel(
        _body,
        out_type=jax.ShapeDtypeStruct((B * HW,), jnp.float32),
        mesh=mesh,
        compiler_params=pltpu.CompilerParams(use_tc_tiling_on_sc=True),
        scratch_types=[
            pltpu.VMEM_SHARED((HIST_WORDS,), jnp.float32),
            pltpu.VMEM((2, ROWS_PER_CH, W), jnp.float32),
            pltpu.VMEM((2, ROWS_PER_CH, W), jnp.float32),
            pltpu.VMEM((2, ROWS_PER_CH, W), jnp.float32),
            pltpu.VMEM((2, 1, CH), jnp.int32),
            pltpu.VMEM((2, 1, CH), jnp.float32),
            pltpu.VMEM((CH,), jnp.float32),
            pltpu.SemaphoreType.DMA,
            pltpu.SemaphoreType.DMA,
        ],
    )(kp, off)
    return votes.reshape(B, H, W)

# --- scband reference (transcript-rebuilt; emitter-appended) ---
"""Pipeline reference for scband-stem-inference-86895778333054 (READ-ONLY COPY).

The authoritative reference and input builder live on the scoring server;
editing this copy changes nothing except your own understanding.
"""

import jax, jax.numpy as jnp
import numpy as np

B = 8
H = 512
W = 512
KEYPOINT_RADIUS = 15.0
THRESHOLD = 0.1


def setup_inputs(seed: int = 0) -> dict:
    key = jax.random.key(seed)
    k1, k2 = jax.random.split(key)
    stem_keypoint_output = jax.random.uniform(k1, (B, 1, H, W), dtype=jnp.float32)
    stem_offset_output = jax.random.normal(k2, (B, 2, H, W), dtype=jnp.float32)
    return {
        "stem_keypoint_output": stem_keypoint_output,
        "stem_offset_output": stem_offset_output,
    }


def reference(stem_keypoint_output, stem_offset_output):
    # coordinate grids (registered buffers in the torch module)
    xs = jnp.arange(W, dtype=jnp.float32).reshape(1, -1)   # (1, W)
    ys = jnp.arange(H, dtype=jnp.float32).reshape(-1, 1)   # (H, 1)

    # vote target coordinates, rounded to integer pixel positions
    votes_xs = jnp.round(xs + KEYPOINT_RADIUS * stem_offset_output[:, 0]).astype(jnp.int32)  # (B, H, W)
    votes_ys = jnp.round(ys + KEYPOINT_RADIUS * stem_offset_output[:, 1]).astype(jnp.int32)  # (B, H, W)

    votes_weights = stem_keypoint_output[:, 0]  # (B, H, W)

    # zero out weights whose vote target falls outside the image (cast_votes_naive semantics)
    votes_weights = jnp.where(jnp.clip(votes_xs, 0, W - 1) != votes_xs, 0.0, votes_weights)
    votes_weights = jnp.where(jnp.clip(votes_ys, 0, H - 1) != votes_ys, 0.0, votes_weights)

    # only pixels with weight strictly above threshold cast a vote
    mask = votes_weights > THRESHOLD
    contrib = jnp.where(mask, votes_weights, 0.0)

    # clip indices for safety (masked-out entries contribute 0 anyway)
    xc = jnp.clip(votes_xs, 0, W - 1)
    yc = jnp.clip(votes_ys, 0, H - 1)

    b_idx = jnp.arange(B, dtype=jnp.int32).reshape(B, 1, 1)
    flat_idx = (b_idx * H + yc) * W + xc  # (B, H, W)

    votes = jnp.zeros(B * H * W, dtype=jnp.float32).at[flat_idx.reshape(-1)].add(contrib.reshape(-1))
    votes = votes.reshape(B, H, W)
    return votes

if __name__ == "__main__":
    import jax
    _d = setup_inputs()
    print(jax.jit(kernel)(*tuple(_d.values())))

</pallas_src>

<mosaic_0001>
#map = affine_map<(d0, d1) -> (0, 0, 0)>
#map1 = affine_map<(d0, d1) -> (0)>
module attributes {stable_mosaic.version = 14 : i64} {
  func.func @_body(%arg0: i32, %arg1: i32, %arg2: memref<8x512x512xf32, #tpu.memory_space<hbm>>, %arg3: memref<16x512x512xf32, #tpu.memory_space<hbm>>, %arg4: memref<2097152xf32, #tpu.memory_space<hbm>>, %arg5: memref<1048576xf32, #tpu.memory_space<vmem_shared>>, %arg6: memref<2x8x512xf32, #tpu.memory_space<vmem>>, %arg7: memref<2x8x512xf32, #tpu.memory_space<vmem>>, %arg8: memref<2x8x512xf32, #tpu.memory_space<vmem>>, %arg9: memref<2x1x4096xi32, #tpu.memory_space<vmem>>, %arg10: memref<2x1x4096xf32, #tpu.memory_space<vmem>>, %arg11: memref<4096xf32, #tpu.memory_space<vmem>>, %arg12: memref<!tpu.dma_semaphore, #tpu.memory_space<semaphore_mem>>, %arg13: memref<!tpu.dma_semaphore, #tpu.memory_space<semaphore_mem>>) attributes {dimension_semantics = [#tpu.dimension_semantics<core_parallel>, #tpu.dimension_semantics<subcore_parallel>], iteration_bounds = array<i64: 2, 16>, scalar_prefetch = 0 : i64, scratch_operands = 9 : i64, tpu.core_type = #tpu.core_type<sc_vector_subcore>, window_params = [{transform_indices = #map}, {transform_indices = #map}, {transform_indices = #map1}]} {
    %jit3A = arith.constant 4 : i32
    %div3A = arith.divsi %arg1, %jit3A : i32
    %sign3A = arith.constant 0 : i32
    %sign3A_0 = arith.cmpi sgt, %arg1, %sign3A : i32
    %sign3A_1 = arith.extui %sign3A_0 : i1 to i32
    %sign3A_2 = arith.constant 0 : i32
    %sign3A_3 = arith.cmpi slt, %arg1, %sign3A_2 : i32
    %sign3A_4 = arith.extui %sign3A_3 : i1 to i32
    %sign3A_5 = arith.subi %sign3A_1, %sign3A_4 : i32
    %sign3A_6 = arith.constant 0 : i32
    %sign3A_7 = arith.cmpi sgt, %jit3A, %sign3A_6 : i32
    %sign3A_8 = arith.extui %sign3A_7 : i1 to i32
    %sign3A_9 = arith.constant 0 : i32
    %sign3A_10 = arith.cmpi slt, %jit3A, %sign3A_9 : i32
    %sign3A_11 = arith.extui %sign3A_10 : i1 to i32
    %sign3A_12 = arith.subi %sign3A_8, %sign3A_11 : i32
    %ne3A = arith.cmpi ne, %sign3A_5, %sign3A_12 : i32
    %rem3A = arith.remsi %arg1, %jit3A : i32
    %ne3A_13 = arith.constant 0 : i32
    %ne3A_14 = arith.cmpi ne, %rem3A, %ne3A_13 : i32
    %and3A = arith.andi %ne3A, %ne3A_14 : i1
    %sub3A = arith.constant 1 : i32
    %sub3A_15 = arith.subi %div3A, %sub3A : i32
    %select_n3A = arith.select %and3A, %sub3A_15, %div3A : i32
    %jit3A_16 = arith.constant 4 : i32
    %eq3A = arith.constant 0 : i32
    %eq3A_17 = arith.cmpi eq, %jit3A_16, %eq3A : i32
    %jit3A_18 = arith.constant 1 : i32
    %select_n3A_19 = arith.select %eq3A_17, %jit3A_18, %jit3A_16 : i32
    %rem3A_20 = arith.remsi %arg1, %select_n3A_19 : i32
    %ne3A_21 = arith.constant 0 : i32
    %ne3A_22 = arith.cmpi ne, %rem3A_20, %ne3A_21 : i32
    %lt3A = arith.constant 0 : i32
    %lt3A_23 = arith.cmpi slt, %rem3A_20, %lt3A : i32
    %lt3A_24 = arith.constant 0 : i32
    %lt3A_25 = arith.cmpi slt, %select_n3A_19, %lt3A_24 : i32
    %ne3A_26 = arith.xori %lt3A_23, %lt3A_25 : i1
    %and3A_27 = arith.andi %ne3A_26, %ne3A_22 : i1
    %add3A = arith.addi %rem3A_20, %select_n3A_19 : i32
    %select_n3A_28 = arith.select %and3A_27, %add3A, %rem3A_20 : i32
    %mul3A = arith.constant 4 : i32
    %mul3A_29 = arith.muli %mul3A, %arg0 : i32
    %add3A_30 = arith.addi %mul3A_29, %select_n3A : i32
    %mul3A_31 = arith.constant 65536 : i32
    %mul3A_32 = arith.muli %select_n3A_28, %mul3A_31 : i32
    %iota3A = tpu.iota {dimensions = array<i32: 0>} : vector<16xi32>
    %convert_element_type3A = arith.sitofp %iota3A : vector<16xi32> to vector<16xf32>
    %broadcast_in_dim3A = arith.constant 1 : i32
    %broadcast_in_dim3A_33 = vector.broadcast %broadcast_in_dim3A : i32 to vector<16xi32>
    %mul3A_34 = arith.constant 262144 : i32
    %mul3A_35 = arith.muli %select_n3A, %mul3A_34 : i32
    %mul3A_36 = vector.broadcast %mul3A_35 : i32 to vector<16xi32>
    %mul3A_37 = arith.muli %broadcast_in_dim3A_33, %mul3A_36 : vector<16xi32>
    %broadcast_in_dim3A_38 = arith.constant 0.000000e+00 : f32
    %broadcast_in_dim3A_39 = vector.broadcast %broadcast_in_dim3A_38 : f32 to vector<16xf32>
    %mul3A_40 = arith.constant 128 : i32
    %mul3A_41 = arith.muli %select_n3A_28, %mul3A_40 : i32
    %add3A_42 = arith.constant 0 : i32
    %add3A_43 = arith.addi %mul3A_41, %add3A_42 : i32
    %dma_start3A = arith.constant 0 : i32
    %dma_start3A_44 = arith.constant 0 : i32
    %dma_start3A_45 = arith.constant 0 : i32
    %dma_start3A_46 = tpu.memref_slice %arg6[%dma_start3A, %dma_start3A_44, %dma_start3A_45] : memref<2x8x512xf32, #tpu.memory_space<vmem>> -> memref<1x8x512xf32, #tpu.memory_space<vmem>>
    %dma_start3A_47 = tpu.memref_squeeze %dma_start3A_46 : memref<1x8x512xf32, #tpu.memory_space<vmem>> -> memref<8x512xf32, #tpu.memory_space<vmem>>
    %dma_start3A_48 = arith.constant 0 : i32
    %dma_start3A_49 = tpu.memref_slice %arg2[%add3A_30, %add3A_43, %dma_start3A_48] : memref<8x512x512xf32, #tpu.memory_space<hbm>> -> memref<1x8x512xf32, #tpu.memory_space<hbm>>
    %dma_start3A_50 = tpu.memref_squeeze %dma_start3A_49 : memref<1x8x512xf32, #tpu.memory_space<hbm>> -> memref<8x512xf32, #tpu.memory_space<hbm>>
    %dma_start3A_51 = arith.constant 0 : i32
    %dma_start3A_52 = arith.constant 0 : i32
    %dma_start3A_53 = tpu.memref_slice %arg6[%dma_start3A, %dma_start3A_51, %dma_start3A_52] : memref<2x8x512xf32, #tpu.memory_space<vmem>> -> memref<1x8x512xf32, #tpu.memory_space<vmem>>
    %dma_start3A_54 = tpu.memref_squeeze %dma_start3A_53 : memref<1x8x512xf32, #tpu.memory_space<vmem>> -> memref<8x512xf32, #tpu.memory_space<vmem>>
    %dma_start3A_55 = arith.constant 0 : i32
    %dma_start3A_56 = tpu.memref_slice %arg2[%add3A_30, %add3A_43, %dma_start3A_55] : memref<8x512x512xf32, #tpu.memory_space<hbm>> -> memref<1x8x512xf32, #tpu.memory_space<hbm>>
    %dma_start3A_57 = tpu.memref_squeeze %dma_start3A_56 : memref<1x8x512xf32, #tpu.memory_space<hbm>> -> memref<8x512xf32, #tpu.memory_space<hbm>>
    tpu.enqueue_dma source(%dma_start3A_57 : memref<8x512xf32, #tpu.memory_space<hbm>>) target(%dma_start3A_54 : memref<8x512xf32, #tpu.memory_space<vmem>>) target_semaphore(%arg12 : memref<!tpu.dma_semaphore, #tpu.memory_space<semaphore_mem>>)
    %mul3A_58 = arith.constant 2 : i32
    %mul3A_59 = arith.muli %mul3A_58, %add3A_30 : i32
    %dma_start3A_60 = arith.constant 0 : i32
    %dma_start3A_61 = arith.constant 0 : i32
    %dma_start3A_62 = arith.constant 0 : i32
    %dma_start3A_63 = tpu.memref_slice %arg7[%dma_start3A_60, %dma_start3A_61, %dma_start3A_62] : memref<2x8x512xf32, #tpu.memory_space<vmem>> -> memref<1x8x512xf32, #tpu.memory_space<vmem>>
    %dma_start3A_64 = tpu.memref_squeeze %dma_start3A_63 : memref<1x8x512xf32, #tpu.memory_space<vmem>> -> memref<8x512xf32, #tpu.memory_space<vmem>>
    %dma_start3A_65 = arith.constant 0 : i32
    %dma_start3A_66 = tpu.memref_slice %arg3[%mul3A_59, %add3A_43, %dma_start3A_65] : memref<16x512x512xf32, #tpu.memory_space<hbm>> -> memref<1x8x512xf32, #tpu.memory_space<hbm>>
    %dma_start3A_67 = tpu.memref_squeeze %dma_start3A_66 : memref<1x8x512xf32, #tpu.memory_space<hbm>> -> memref<8x512xf32, #tpu.memory_space<hbm>>
    %dma_start3A_68 = arith.constant 0 : i32
    %dma_start3A_69 = arith.constant 0 : i32
    %dma_start3A_70 = tpu.memref_slice %arg7[%dma_start3A_60, %dma_start3A_68, %dma_start3A_69] : memref<2x8x512xf32, #tpu.memory_space<vmem>> -> memref<1x8x512xf32, #tpu.memory_space<vmem>>
    %dma_start3A_71 = tpu.memref_squeeze %dma_start3A_70 : memref<1x8x512xf32, #tpu.memory_space<vmem>> -> memref<8x512xf32, #tpu.memory_space<vmem>>
    %dma_start3A_72 = arith.constant 0 : i32
    %dma_start3A_73 = tpu.memref_slice %arg3[%mul3A_59, %add3A_43, %dma_start3A_72] : memref<16x512x512xf32, #tpu.memory_space<hbm>> -> memref<1x8x512xf32, #tpu.memory_space<hbm>>
    %dma_start3A_74 = tpu.memref_squeeze %dma_start3A_73 : memref<1x8x512xf32, #tpu.memory_space<hbm>> -> memref<8x512xf32, #tpu.memory_space<hbm>>
    tpu.enqueue_dma source(%dma_start3A_74 : memref<8x512xf32, #tpu.memory_space<hbm>>) target(%dma_start3A_71 : memref<8x512xf32, #tpu.memory_space<vmem>>) target_semaphore(%arg12 : memref<!tpu.dma_semaphore, #tpu.memory_space<semaphore_mem>>)
    %mul3A_75 = arith.constant 2 : i32
    %mul3A_76 = arith.muli %mul3A_75, %add3A_30 : i32
    %add3A_77 = arith.constant 1 : i32
    %add3A_78 = arith.addi %mul3A_76, %add3A_77 : i32
    %dma_start3A_79 = arith.constant 0 : i32
    %dma_start3A_80 = arith.constant 0 : i32
    %dma_start3A_81 = arith.constant 0 : i32
    %dma_start3A_82 = tpu.memref_slice %arg8[%dma_start3A_79, %dma_start3A_80, %dma_start3A_81] : memref<2x8x512xf32, #tpu.memory_space<vmem>> -> memref<1x8x512xf32, #tpu.memory_space<vmem>>
    %dma_start3A_83 = tpu.memref_squeeze %dma_start3A_82 : memref<1x8x512xf32, #tpu.memory_space<vmem>> -> memref<8x512xf32, #tpu.memory_space<vmem>>
    %dma_start3A_84 = arith.constant 0 : i32
    %dma_start3A_85 = tpu.memref_slice %arg3[%add3A_78, %add3A_43, %dma_start3A_84] : memref<16x512x512xf32, #tpu.memory_space<hbm>> -> memref<1x8x512xf32, #tpu.memory_space<hbm>>
    %dma_start3A_86 = tpu.memref_squeeze %dma_start3A_85 : memref<1x8x512xf32, #tpu.memory_space<hbm>> -> memref<8x512xf32, #tpu.memory_space<hbm>>
    %dma_start3A_87 = arith.constant 0 : i32
    %dma_start3A_88 = arith.constant 0 : i32
    %dma_start3A_89 = tpu.memref_slice %arg8[%dma_start3A_79, %dma_start3A_87, %dma_start3A_88] : memref<2x8x512xf32, #tpu.memory_space<vmem>> -> memref<1x8x512xf32, #tpu.memory_space<vmem>>
    %dma_start3A_90 = tpu.memref_squeeze %dma_start3A_89 : memref<1x8x512xf32, #tpu.memory_space<vmem>> -> memref<8x512xf32, #tpu.memory_space<vmem>>
    %dma_start3A_91 = arith.constant 0 : i32
    %dma_start3A_92 = tpu.memref_slice %arg3[%add3A_78, %add3A_43, %dma_start3A_91] : memref<16x512x512xf32, #tpu.memory_space<hbm>> -> memref<1x8x512xf32, #tpu.memory_space<hbm>>
    %dma_start3A_93 = tpu.memref_squeeze %dma_start3A_92 : memref<1x8x512xf32, #tpu.memory_space<hbm>> -> memref<8x512xf32, #tpu.memory_space<hbm>>
    tpu.enqueue_dma source(%dma_start3A_93 : memref<8x512xf32, #tpu.memory_space<hbm>>) target(%dma_start3A_90 : memref<8x512xf32, #tpu.memory_space<vmem>>) target_semaphore(%arg12 : memref<!tpu.dma_semaphore, #tpu.memory_space<semaphore_mem>>)
    %scan3A = arith.constant 0 : i32
    %scan3A_94 = arith.constant 0 : i32
    %scan3A_95 = arith.constant 256 : i32
    %scan3A_96 = arith.addi %scan3A_94, %scan3A_95 : i32
    %scan3A_97 = arith.constant 1 : i32
    %scan3A_98 = scf.for %scan3A_266 = %scan3A_94 to %scan3A_96 step %scan3A_97 iter_args(%scan3A_267 = %scan3A) -> (i32)  : i32 {
      %mul3A_268 = arith.constant 16 : i32
      %mul3A_269 = arith.muli %scan3A_266, %mul3A_268 : i32
      %swap3A = arith.index_cast %mul3A_269 : i32 to index
      %swap3A_270 = tpu.vector_load %arg11[%swap3A] {strides = array<i32>} : memref<4096xf32, #tpu.memory_space<vmem>>, vector<16xf32>,
      %swap3A_271 = vector.shape_cast %swap3A_270 : vector<16xf32> to vector<16xf32>
      %swap3A_272 = vector.shape_cast %broadcast_in_dim3A_39 : vector<16xf32> to vector<16xf32>
      tpu.vector_store %arg11[%swap3A], %swap3A_272 {strides = array<i32>} : memref<4096xf32, #tpu.memory_space<vmem>>, vector<16xf32>,
      %scan3A_273 = arith.constant 0 : i32
      scf.yield %scan3A_273 : i32
    }
    %scan3A_99 = arith.constant 256 : i32
    %mul3A_100 = arith.constant 65536 : i32
    %mul3A_101 = arith.muli %arg1, %mul3A_100 : i32
    %add3A_102 = arith.constant 0 : i32
    %add3A_103 = arith.addi %mul3A_101, %add3A_102 : i32
    %dma_start3A_104 = tpu.memref_slice %arg5[%add3A_103] : memref<1048576xf32, #tpu.memory_space<vmem_shared>> -> memref<4096xf32, #tpu.memory_space<vmem_shared>>
    %dma_start3A_105 = tpu.memref_slice %arg5[%add3A_103] : memref<1048576xf32, #tpu.memory_space<vmem_shared>> -> memref<4096xf32, #tpu.memory_space<vmem_shared>>
    tpu.enqueue_dma source(%arg11 : memref<4096xf32, #tpu.memory_space<vmem>>) target(%dma_start3A_105 : memref<4096xf32, #tpu.memory_space<vmem_shared>>) target_semaphore(%arg13 : memref<!tpu.dma_semaphore, #tpu.memory_space<semaphore_mem>>)
    %mul3A_106 = arith.constant 65536 : i32
    %mul3A_107 = arith.muli %arg1, %mul3A_106 : i32
    %add3A_108 = arith.constant 4096 : i32
    %add3A_109 = arith.addi %mul3A_107, %add3A_108 : i32
    %dma_start3A_110 = tpu.memref_slice %arg5[%add3A_109] : memref<1048576xf32, #tpu.memory_space<vmem_shared>> -> memref<4096xf32, #tpu.memory_space<vmem_shared>>
    %dma_start3A_111 = tpu.memref_slice %arg5[%add3A_109] : memref<1048576xf32, #tpu.memory_space<vmem_shared>> -> memref<4096xf32, #tpu.memory_space<vmem_shared>>
    tpu.enqueue_dma source(%arg11 : memref<4096xf32, #tpu.memory_space<vmem>>) target(%dma_start3A_111 : memref<4096xf32, #tpu.memory_space<vmem_shared>>) target_semaphore(%arg13 : memref<!tpu.dma_semaphore, #tpu.memory_space<semaphore_mem>>)
    %mul3A_112 = arith.constant 65536 : i32
    %mul3A_113 = arith.muli %arg1, %mul3A_112 : i32
    %add3A_114 = arith.constant 8192 : i32
    %add3A_115 = arith.addi %mul3A_113, %add3A_114 : i32
    %dma_start3A_116 = tpu.memref_slice %arg5[%add3A_115] : memref<1048576xf32, #tpu.memory_space<vmem_shared>> -> memref<4096xf32, #tpu.memory_space<vmem_shared>>
    %dma_start3A_117 = tpu.memref_slice %arg5[%add3A_115] : memref<1048576xf32, #tpu.memory_space<vmem_shared>> -> memref<4096xf32, #tpu.memory_space<vmem_shared>>
    tpu.enqueue_dma source(%arg11 : memref<4096xf32, #tpu.memory_space<vmem>>) target(%dma_start3A_117 : memref<4096xf32, #tpu.memory_space<vmem_shared>>) target_semaphore(%arg13 : memref<!tpu.dma_semaphore, #tpu.memory_space<semaphore_mem>>)
    %mul3A_118 = arith.constant 65536 : i32
    %mul3A_119 = arith.muli %arg1, %mul3A_118 : i32
    %add3A_120 = arith.constant 12288 : i32
    %add3A_121 = arith.addi %mul3A_119, %add3A_120 : i32
    %dma_start3A_122 = tpu.memref_slice %arg5[%add3A_121] : memref<1048576xf32, #tpu.memory_space<vmem_shared>> -> memref<4096xf32, #tpu.memory_space<vmem_shared>>
    %dma_start3A_123 = tpu.memref_slice %arg5[%add3A_121] : memref<1048576xf32, #tpu.memory_space<vmem_shared>> -> memref<4096xf32, #tpu.memory_space<vmem_shared>>
    tpu.enqueue_dma source(%arg11 : memref<4096xf32, #tpu.memory_space<vmem>>) target(%dma_start3A_123 : memref<4096xf32, #tpu.memory_space<vmem_shared>>) target_semaphore(%arg13 : memref<!tpu.dma_semaphore, #tpu.memory_space<semaphore_mem>>)
    %mul3A_124 = arith.constant 65536 : i32
    %mul3A_125 = arith.muli %arg1, %mul3A_124 : i32
    %add3A_126 = arith.constant 16384 : i32
    %add3A_127 = arith.addi %mul3A_125, %add3A_126 : i32
    %dma_start3A_128 = tpu.memref_slice %arg5[%add3A_127] : memref<1048576xf32, #tpu.memory_space<vmem_shared>> -> memref<4096xf32, #tpu.memory_space<vmem_shared>>
    %dma_start3A_129 = tpu.memref_slice %arg5[%add3A_127] : memref<1048576xf32, #tpu.memory_space<vmem_shared>> -> memref<4096xf32, #tpu.memory_space<vmem_shared>>
    tpu.enqueue_dma source(%arg11 : memref<4096xf32, #tpu.memory_space<vmem>>) target(%dma_start3A_129 : memref<4096xf32, #tpu.memory_space<vmem_shared>>) target_semaphore(%arg13 : memref<!tpu.dma_semaphore, #tpu.memory_space<semaphore_mem>>)
    %mul3A_130 = arith.constant 65536 : i32
    %mul3A_131 = arith.muli %arg1, %mul3A_130 : i32
    %add3A_132 = arith.constant 20480 : i32
    %add3A_133 = arith.addi %mul3A_131, %add3A_132 : i32
    %dma_start3A_134 = tpu.memref_slice %arg5[%add3A_133] : memref<1048576xf32, #tpu.memory_space<vmem_shared>> -> memref<4096xf32, #tpu.memory_space<vmem_shared>>
    %dma_start3A_135 = tpu.memref_slice %arg5[%add3A_133] : memref<1048576xf32, #tpu.memory_space<vmem_shared>> -> memref<4096xf32, #tpu.memory_space<vmem_shared>>
    tpu.enqueue_dma source(%arg11 : memref<4096xf32, #tpu.memory_space<vmem>>) target(%dma_start3A_135 : memref<4096xf32, #tpu.memory_space<vmem_shared>>) target_semaphore(%arg13 : memref<!tpu.dma_semaphore, #tpu.memory_space<semaphore_mem>>)
    %mul3A_136 = arith.constant 65536 : i32
    %mul3A_137 = arith.muli %arg1, %mul3A_136 : i32
    %add3A_138 = arith.constant 24576 : i32
    %add3A_139 = arith.addi %mul3A_137, %add3A_138 : i32
    %dma_start3A_140 = tpu.memref_slice %arg5[%add3A_139] : memref<1048576xf32, #tpu.memory_space<vmem_shared>> -> memref<4096xf32, #tpu.memory_space<vmem_shared>>
    %dma_start3A_141 = tpu.memref_slice %arg5[%add3A_139] : memref<1048576xf32, #tpu.memory_space<vmem_shared>> -> memref<4096xf32, #tpu.memory_space<vmem_shared>>
    tpu.enqueue_dma source(%arg11 : memref<4096xf32, #tpu.memory_space<vmem>>) target(%dma_start3A_141 : memref<4096xf32, #tpu.memory_space<vmem_shared>>) target_semaphore(%arg13 : memref<!tpu.dma_semaphore, #tpu.memory_space<semaphore_mem>>)
    %mul3A_142 = arith.constant 65536 : i32
    %mul3A_143 = arith.muli %arg1, %mul3A_142 : i32
    %add3A_144 = arith.constant 28672 : i32
    %add3A_145 = arith.addi %mul3A_143, %add3A_144 : i32
    %dma_start3A_146 = tpu.memref_slice %arg5[%add3A_145] : memref<1048576xf32, #tpu.memory_space<vmem_shared>> -> memref<4096xf32, #tpu.memory_space<vmem_shared>>
    %dma_start3A_147 = tpu.memref_slice %arg5[%add3A_145] : memref<1048576xf32, #tpu.memory_space<vmem_shared>> -> memref<4096xf32, #tpu.memory_space<vmem_shared>>
    tpu.enqueue_dma source(%arg11 : memref<4096xf32, #tpu.memory_space<vmem>>) target(%dma_start3A_147 : memref<4096xf32, #tpu.memory_space<vmem_shared>>) target_semaphore(%arg13 : memref<!tpu.dma_semaphore, #tpu.memory_space<semaphore_mem>>)
    %mul3A_148 = arith.constant 65536 : i32
    %mul3A_149 = arith.muli %arg1, %mul3A_148 : i32
    %add3A_150 = arith.constant 32768 : i32
    %add3A_151 = arith.addi %mul3A_149, %add3A_150 : i32
    %dma_start3A_152 = tpu.memref_slice %arg5[%add3A_151] : memref<1048576xf32, #tpu.memory_space<vmem_shared>> -> memref<4096xf32, #tpu.memory_space<vmem_shared>>
    %dma_start3A_153 = tpu.memref_slice %arg5[%add3A_151] : memref<1048576xf32, #tpu.memory_space<vmem_shared>> -> memref<4096xf32, #tpu.memory_space<vmem_shared>>
    tpu.enqueue_dma source(%arg11 : memref<4096xf32, #tpu.memory_space<vmem>>) target(%dma_start3A_153 : memref<4096xf32, #tpu.memory_space<vmem_shared>>) target_semaphore(%arg13 : memref<!tpu.dma_semaphore, #tpu.memory_space<semaphore_mem>>)
    %mul3A_154 = arith.constant 65536 : i32
    %mul3A_155 = arith.muli %arg1, %mul3A_154 : i32
    %add3A_156 = arith.constant 36864 : i32
    %add3A_157 = arith.addi %mul3A_155, %add3A_156 : i32
    %dma_start3A_158 = tpu.memref_slice %arg5[%add3A_157] : memref<1048576xf32, #tpu.memory_space<vmem_shared>> -> memref<4096xf32, #tpu.memory_space<vmem_shared>>
    %dma_start3A_159 = tpu.memref_slice %arg5[%add3A_157] : memref<1048576xf32, #tpu.memory_space<vmem_shared>> -> memref<4096xf32, #tpu.memory_space<vmem_shared>>
    tpu.enqueue_dma source(%arg11 : memref<4096xf32, #tpu.memory_space<vmem>>) target(%dma_start3A_159 : memref<4096xf32, #tpu.memory_space<vmem_shared>>) target_semaphore(%arg13 : memref<!tpu.dma_semaphore, #tpu.memory_space<semaphore_mem>>)
    %mul3A_160 = arith.constant 65536 : i32
    %mul3A_161 = arith.muli %arg1, %mul3A_160 : i32
    %add3A_162 = arith.constant 40960 : i32
    %add3A_163 = arith.addi %mul3A_161, %add3A_162 : i32
    %dma_start3A_164 = tpu.memref_slice %arg5[%add3A_163] : memref<1048576xf32, #tpu.memory_space<vmem_shared>> -> memref<4096xf32, #tpu.memory_space<vmem_shared>>
    %dma_start3A_165 = tpu.memref_slice %arg5[%add3A_163] : memref<1048576xf32, #tpu.memory_space<vmem_shared>> -> memref<4096xf32, #tpu.memory_space<vmem_shared>>
    tpu.enqueue_dma source(%arg11 : memref<4096xf32, #tpu.memory_space<vmem>>) target(%dma_start3A_165 : memref<4096xf32, #tpu.memory_space<vmem_shared>>) target_semaphore(%arg13 : memref<!tpu.dma_semaphore, #tpu.memory_space<semaphore_mem>>)
    %mul3A_166 = arith.constant 65536 : i32
    %mul3A_167 = arith.muli %arg1, %mul3A_166 : i32
    %add3A_168 = arith.constant 45056 : i32
    %add3A_169 = arith.addi %mul3A_167, %add3A_168 : i32
    %dma_start3A_170 = tpu.memref_slice %arg5[%add3A_169] : memref<1048576xf32, #tpu.memory_space<vmem_shared>> -> memref<4096xf32, #tpu.memory_space<vmem_shared>>
    %dma_start3A_171 = tpu.memref_slice %arg5[%add3A_169] : memref<1048576xf32, #tpu.memory_space<vmem_shared>> -> memref<4096xf32, #tpu.memory_space<vmem_shared>>
    tpu.enqueue_dma source(%arg11 : memref<4096xf32, #tpu.memory_space<vmem>>) target(%dma_start3A_171 : memref<4096xf32, #tpu.memory_space<vmem_shared>>) target_semaphore(%arg13 : memref<!tpu.dma_semaphore, #tpu.memory_space<semaphore_mem>>)
    %mul3A_172 = arith.constant 65536 : i32
    %mul3A_173 = arith.muli %arg1, %mul3A_172 : i32
    %add3A_174 = arith.constant 49152 : i32
    %add3A_175 = arith.addi %mul3A_173, %add3A_174 : i32
    %dma_start3A_176 = tpu.memref_slice %arg5[%add3A_175] : memref<1048576xf32, #tpu.memory_space<vmem_shared>> -> memref<4096xf32, #tpu.memory_space<vmem_shared>>
    %dma_start3A_177 = tpu.memref_slice %arg5[%add3A_175] : memref<1048576xf32, #tpu.memory_space<vmem_shared>> -> memref<4096xf32, #tpu.memory_space<vmem_shared>>
    tpu.enqueue_dma source(%arg11 : memref<4096xf32, #tpu.memory_space<vmem>>) target(%dma_start3A_177 : memref<4096xf32, #tpu.memory_space<vmem_shared>>) target_semaphore(%arg13 : memref<!tpu.dma_semaphore, #tpu.memory_space<semaphore_mem>>)
    %mul3A_178 = arith.constant 65536 : i32
    %mul3A_179 = arith.muli %arg1, %mul3A_178 : i32
    %add3A_180 = arith.constant 53248 : i32
    %add3A_181 = arith.addi %mul3A_179, %add3A_180 : i32
    %dma_start3A_182 = tpu.memref_slice %arg5[%add3A_181] : memref<1048576xf32, #tpu.memory_space<vmem_shared>> -> memref<4096xf32, #tpu.memory_space<vmem_shared>>
    %dma_start3A_183 = tpu.memref_slice %arg5[%add3A_181] : memref<1048576xf32, #tpu.memory_space<vmem_shared>> -> memref<4096xf32, #tpu.memory_space<vmem_shared>>
    tpu.enqueue_dma source(%arg11 : memref<4096xf32, #tpu.memory_space<vmem>>) target(%dma_start3A_183 : memref<4096xf32, #tpu.memory_space<vmem_shared>>) target_semaphore(%arg13 : memref<!tpu.dma_semaphore, #tpu.memory_space<semaphore_mem>>)
    %mul3A_184 = arith.constant 65536 : i32
    %mul3A_185 = arith.muli %arg1, %mul3A_184 : i32
    %add3A_186 = arith.constant 57344 : i32
    %add3A_187 = arith.addi %mul3A_185, %add3A_186 : i32
    %dma_start3A_188 = tpu.memref_slice %arg5[%add3A_187] : memref<1048576xf32, #tpu.memory_space<vmem_shared>> -> memref<4096xf32, #tpu.memory_space<vmem_shared>>
    %dma_start3A_189 = tpu.memref_slice %arg5[%add3A_187] : memref<1048576xf32, #tpu.memory_space<vmem_shared>> -> memref<4096xf32, #tpu.memory_space<vmem_shared>>
    tpu.enqueue_dma source(%arg11 : memref<4096xf32, #tpu.memory_space<vmem>>) target(%dma_start3A_189 : memref<4096xf32, #tpu.memory_space<vmem_shared>>) target_semaphore(%arg13 : memref<!tpu.dma_semaphore, #tpu.memory_space<semaphore_mem>>)
    %mul3A_190 = arith.constant 65536 : i32
    %mul3A_191 = arith.muli %arg1, %mul3A_190 : i32
    %add3A_192 = arith.constant 61440 : i32
    %add3A_193 = arith.addi %mul3A_191, %add3A_192 : i32
    %dma_start3A_194 = tpu.memref_slice %arg5[%add3A_193] : memref<1048576xf32, #tpu.memory_space<vmem_shared>> -> memref<4096xf32, #tpu.memory_space<vmem_shared>>
    %dma_start3A_195 = tpu.memref_slice %arg5[%add3A_193] : memref<1048576xf32, #tpu.memory_space<vmem_shared>> -> memref<4096xf32, #tpu.memory_space<vmem_shared>>
    tpu.enqueue_dma source(%arg11 : memref<4096xf32, #tpu.memory_space<vmem>>) target(%dma_start3A_195 : memref<4096xf32, #tpu.memory_space<vmem_shared>>) target_semaphore(%arg13 : memref<!tpu.dma_semaphore, #tpu.memory_space<semaphore_mem>>)
    %dma_wait3A = tpu.memref_slice %arg5[%add3A_103] : memref<1048576xf32, #tpu.memory_space<vmem_shared>> -> memref<4096xf32, #tpu.memory_space<vmem_shared>>
    %dma_wait3A_196 = tpu.memref_slice %arg5[%add3A_103] : memref<1048576xf32, #tpu.memory_space<vmem_shared>> -> memref<4096xf32, #tpu.memory_space<vmem_shared>>
    tpu.wait_dma2 semaphore(%arg13 : memref<!tpu.dma_semaphore, #tpu.memory_space<semaphore_mem>>) src(%arg11 : memref<4096xf32, #tpu.memory_space<vmem>>) dst(%dma_wait3A_196 : memref<4096xf32, #tpu.memory_space<vmem_shared>>)
    %dma_wait3A_197 = tpu.memref_slice %arg5[%add3A_109] : memref<1048576xf32, #tpu.memory_space<vmem_shared>> -> memref<4096xf32, #tpu.memory_space<vmem_shared>>
    %dma_wait3A_198 = tpu.memref_slice %arg5[%add3A_109] : memref<1048576xf32, #tpu.memory_space<vmem_shared>> -> memref<4096xf32, #tpu.memory_space<vmem_shared>>
    tpu.wait_dma2 semaphore(%arg13 : memref<!tpu.dma_semaphore, #tpu.memory_space<semaphore_mem>>) src(%arg11 : memref<4096xf32, #tpu.memory_space<vmem>>) dst(%dma_wait3A_198 : memref<4096xf32, #tpu.memory_space<vmem_shared>>)
    %dma_wait3A_199 = tpu.memref_slice %arg5[%add3A_115] : memref<1048576xf32, #tpu.memory_space<vmem_shared>> -> memref<4096xf32, #tpu.memory_space<vmem_shared>>
    %dma_wait3A_200 = tpu.memref_slice %arg5[%add3A_115] : memref<1048576xf32, #tpu.memory_space<vmem_shared>> -> memref<4096xf32, #tpu.memory_space<vmem_shared>>
    tpu.wait_dma2 semaphore(%arg13 : memref<!tpu.dma_semaphore, #tpu.memory_space<semaphore_mem>>) src(%arg11 : memref<4096xf32, #tpu.memory_space<vmem>>) dst(%dma_wait3A_200 : memref<4096xf32, #tpu.memory_space<vmem_shared>>)
    %dma_wait3A_201 = tpu.memref_slice %arg5[%add3A_121] : memref<1048576xf32, #tpu.memory_space<vmem_shared>> -> memref<4096xf32, #tpu.memory_space<vmem_shared>>
    %dma_wait3A_202 = tpu.memref_slice %arg5[%add3A_121] : memref<1048576xf32, #tpu.memory_space<vmem_shared>> -> memref<4096xf32, #tpu.memory_space<vmem_shared>>
    tpu.wait_dma2 semaphore(%arg13 : memref<!tpu.dma_semaphore, #tpu.memory_space<semaphore_mem>>) src(%arg11 : memref<4096xf32, #tpu.memory_space<vmem>>) dst(%dma_wait3A_202 : memref<4096xf32, #tpu.memory_space<vmem_shared>>)
    %dma_wait3A_203 = tpu.memref_slice %arg5[%add3A_127] : memref<1048576xf32, #tpu.memory_space<vmem_shared>> -> memref<4096xf32, #tpu.memory_space<vmem_shared>>
    %dma_wait3A_204 = tpu.memref_slice %arg5[%add3A_127] : memref<1048576xf32, #tpu.memory_space<vmem_shared>> -> memref<4096xf32, #tpu.memory_space<vmem_shared>>
    tpu.wait_dma2 semaphore(%arg13 : memref<!tpu.dma_semaphore, #tpu.memory_space<semaphore_mem>>) src(%arg11 : memref<4096xf32, #tpu.memory_space<vmem>>) dst(%dma_wait3A_204 : memref<4096xf32, #tpu.memory_space<vmem_shared>>)
    %dma_wait3A_205 = tpu.memref_slice %arg5[%add3A_133] : memref<1048576xf32, #tpu.memory_space<vmem_shared>> -> memref<4096xf32, #tpu.memory_space<vmem_shared>>
    %dma_wait3A_206 = tpu.memref_slice %arg5[%add3A_133] : memref<1048576xf32, #tpu.memory_space<vmem_shared>> -> memref<4096xf32, #tpu.memory_space<vmem_shared>>
    tpu.wait_dma2 semaphore(%arg13 : memref<!tpu.dma_semaphore, #tpu.memory_space<semaphore_mem>>) src(%arg11 : memref<4096xf32, #tpu.memory_space<vmem>>) dst(%dma_wait3A_206 : memref<4096xf32, #tpu.memory_space<vmem_shared>>)
    %dma_wait3A_207 = tpu.memref_slice %arg5[%add3A_139] : memref<1048576xf32, #tpu.memory_space<vmem_shared>> -> memref<4096xf32, #tpu.memory_space<vmem_shared>>
    %dma_wait3A_208 = tpu.memref_slice %arg5[%add3A_139] : memref<1048576xf32, #tpu.memory_space<vmem_shared>> -> memref<4096xf32, #tpu.memory_space<vmem_shared>>
    tpu.wait_dma2 semaphore(%arg13 : memref<!tpu.dma_semaphore, #tpu.memory_space<semaphore_mem>>) src(%arg11 : memref<4096xf32, #tpu.memory_space<vmem>>) dst(%dma_wait3A_208 : memref<4096xf32, #tpu.memory_space<vmem_shared>>)
    %dma_wait3A_209 = tpu.memref_slice %arg5[%add3A_145] : memref<1048576xf32, #tpu.memory_space<vmem_shared>> -> memref<4096xf32, #tpu.memory_space<vmem_shared>>
    %dma_wait3A_210 = tpu.memref_slice %arg5[%add3A_145] : memref<1048576xf32, #tpu.memory_space<vmem_shared>> -> memref<4096xf32, #tpu.memory_space<vmem_shared>>
    tpu.wait_dma2 semaphore(%arg13 : memref<!tpu.dma_semaphore, #tpu.memory_space<semaphore_mem>>) src(%arg11 : memref<4096xf32, #tpu.memory_space<vmem>>) dst(%dma_wait3A_210 : memref<4096xf32, #tpu.memory_space<vmem_shared>>)
    %dma_wait3A_211 = tpu.memref_slice %arg5[%add3A_151] : memref<1048576xf32, #tpu.memory_space<vmem_shared>> -> memref<4096xf32, #tpu.memory_space<vmem_shared>>
    %dma_wait3A_212 = tpu.memref_slice %arg5[%add3A_151] : memref<1048576xf32, #tpu.memory_space<vmem_shared>> -> memref<4096xf32, #tpu.memory_space<vmem_shared>>
    tpu.wait_dma2 semaphore(%arg13 : memref<!tpu.dma_semaphore, #tpu.memory_space<semaphore_mem>>) src(%arg11 : memref<4096xf32, #tpu.memory_space<vmem>>) dst(%dma_wait3A_212 : memref<4096xf32, #tpu.memory_space<vmem_shared>>)
    %dma_wait3A_213 = tpu.memref_slice %arg5[%add3A_157] : memref<1048576xf32, #tpu.memory_space<vmem_shared>> -> memref<4096xf32, #tpu.memory_space<vmem_shared>>
    %dma_wait3A_214 = tpu.memref_slice %arg5[%add3A_157] : memref<1048576xf32, #tpu.memory_space<vmem_shared>> -> memref<4096xf32, #tpu.memory_space<vmem_shared>>
    tpu.wait_dma2 semaphore(%arg13 : memref<!tpu.dma_semaphore, #tpu.memory_space<semaphore_mem>>) src(%arg11 : memref<4096xf32, #tpu.memory_space<vmem>>) dst(%dma_wait3A_214 : memref<4096xf32, #tpu.memory_space<vmem_shared>>)
    %dma_wait3A_215 = tpu.memref_slice %arg5[%add3A_163] : memref<1048576xf32, #tpu.memory_space<vmem_shared>> -> memref<4096xf32, #tpu.memory_space<vmem_shared>>
    %dma_wait3A_216 = tpu.memref_slice %arg5[%add3A_163] : memref<1048576xf32, #tpu.memory_space<vmem_shared>> -> memref<4096xf32, #tpu.memory_space<vmem_shared>>
    tpu.wait_dma2 semaphore(%arg13 : memref<!tpu.dma_semaphore, #tpu.memory_space<semaphore_mem>>) src(%arg11 : memref<4096xf32, #tpu.memory_space<vmem>>) dst(%dma_wait3A_216 : memref<4096xf32, #tpu.memory_space<vmem_shared>>)
    %dma_wait3A_217 = tpu.memref_slice %arg5[%add3A_169] : memref<1048576xf32, #tpu.memory_space<vmem_shared>> -> memref<4096xf32, #tpu.memory_space<vmem_shared>>
    %dma_wait3A_218 = tpu.memref_slice %arg5[%add3A_169] : memref<1048576xf32, #tpu.memory_space<vmem_shared>> -> memref<4096xf32, #tpu.memory_space<vmem_shared>>
    tpu.wait_dma2 semaphore(%arg13 : memref<!tpu.dma_semaphore, #tpu.memory_space<semaphore_mem>>) src(%arg11 : memref<4096xf32, #tpu.memory_space<vmem>>) dst(%dma_wait3A_218 : memref<4096xf32, #tpu.memory_space<vmem_shared>>)
    %dma_wait3A_219 = tpu.memref_slice %arg5[%add3A_175] : memref<1048576xf32, #tpu.memory_space<vmem_shared>> -> memref<4096xf32, #tpu.memory_space<vmem_shared>>
    %dma_wait3A_220 = tpu.memref_slice %arg5[%add3A_175] : memref<1048576xf32, #tpu.memory_space<vmem_shared>> -> memref<4096xf32, #tpu.memory_space<vmem_shared>>
    tpu.wait_dma2 semaphore(%arg13 : memref<!tpu.dma_semaphore, #tpu.memory_space<semaphore_mem>>) src(%arg11 : memref<4096xf32, #tpu.memory_space<vmem>>) dst(%dma_wait3A_220 : memref<4096xf32, #tpu.memory_space<vmem_shared>>)
    %dma_wait3A_221 = tpu.memref_slice %arg5[%add3A_181] : memref<1048576xf32, #tpu.memory_space<vmem_shared>> -> memref<4096xf32, #tpu.memory_space<vmem_shared>>
    %dma_wait3A_222 = tpu.memref_slice %arg5[%add3A_181] : memref<1048576xf32, #tpu.memory_space<vmem_shared>> -> memref<4096xf32, #tpu.memory_space<vmem_shared>>
    tpu.wait_dma2 semaphore(%arg13 : memref<!tpu.dma_semaphore, #tpu.memory_space<semaphore_mem>>) src(%arg11 : memref<4096xf32, #tpu.memory_space<vmem>>) dst(%dma_wait3A_222 : memref<4096xf32, #tpu.memory_space<vmem_shared>>)
    %dma_wait3A_223 = tpu.memref_slice %arg5[%add3A_187] : memref<1048576xf32, #tpu.memory_space<vmem_shared>> -> memref<4096xf32, #tpu.memory_space<vmem_shared>>
    %dma_wait3A_224 = tpu.memref_slice %arg5[%add3A_187] : memref<1048576xf32, #tpu.memory_space<vmem_shared>> -> memref<4096xf32, #tpu.memory_space<vmem_shared>>
    tpu.wait_dma2 semaphore(%arg13 : memref<!tpu.dma_semaphore, #tpu.memory_space<semaphore_mem>>) src(%arg11 : memref<4096xf32, #tpu.memory_space<vmem>>) dst(%dma_wait3A_224 : memref<4096xf32, #tpu.memory_space<vmem_shared>>)
    %dma_wait3A_225 = tpu.memref_slice %arg5[%add3A_193] : memref<1048576xf32, #tpu.memory_space<vmem_shared>> -> memref<4096xf32, #tpu.memory_space<vmem_shared>>
    %dma_wait3A_226 = tpu.memref_slice %arg5[%add3A_193] : memref<1048576xf32, #tpu.memory_space<vmem_shared>> -> memref<4096xf32, #tpu.memory_space<vmem_shared>>
    tpu.wait_dma2 semaphore(%arg13 : memref<!tpu.dma_semaphore, #tpu.memory_space<semaphore_mem>>) src(%arg11 : memref<4096xf32, #tpu.memory_space<vmem>>) dst(%dma_wait3A_226 : memref<4096xf32, #tpu.memory_space<vmem_shared>>)
    %barrier3A = arith.constant 0 : index
    tpu.barrier barrier_id(%barrier3A)
    %scan3A_227 = arith.constant 0 : i32
    %scan3A_228 = arith.constant 0 : i32
    %scan3A_229 = arith.constant 8 : i32
    %scan3A_230 = arith.addi %scan3A_228, %scan3A_229 : i32
    %scan3A_231 = arith.constant 1 : i32
    %scan3A_232 = scf.for %scan3A_266 = %scan3A_228 to %scan3A_230 step %scan3A_231 iter_args(%scan3A_267 = %scan3A_227) -> (i32)  : i32 {
      %mul3A_268 = arith.constant 2 : i32
      %mul3A_269 = arith.muli %mul3A_268, %scan3A_266 : i32
      %add3A_270 = arith.constant 0 : i32
      %add3A_271 = arith.addi %mul3A_269, %add3A_270 : i32
      %add3A_272 = arith.constant 1 : i32
      %add3A_273 = arith.addi %add3A_271, %add3A_272 : i32
      %lt3A_274 = arith.constant 16 : i32
      %lt3A_275 = arith.cmpi slt, %add3A_273, %lt3A_274 : i32
      %convert_element_type3A_276 = arith.extui %lt3A_275 : i1 to i32
      %cond3A = arith.constant 0 : i32
      %cond3A_277 = arith.cmpi ne, %convert_element_type3A_276, %cond3A : i32
      scf.if %cond3A_277 {
        %add3A_442 = arith.constant 1 : i32
        %add3A_443 = arith.addi %add3A_271, %add3A_442 : i32
        %mul3A_444 = arith.constant 8 : i32
        %mul3A_445 = arith.muli %add3A_443, %mul3A_444 : i32
        %add3A_446 = arith.addi %mul3A_41, %mul3A_445 : i32
        %dma_start3A_447 = arith.constant 1 : i32
        %dma_start3A_448 = arith.constant 0 : i32
        %dma_start3A_449 = arith.constant 0 : i32
        %dma_start3A_450 = tpu.memref_slice %arg6[%dma_start3A_447, %dma_start3A_448, %dma_start3A_449] : memref<2x8x512xf32, #tpu.memory_space<vmem>> -> memref<1x8x512xf32, #tpu.memory_space<vmem>>
        %dma_start3A_451 = tpu.memref_squeeze %dma_start3A_450 : memref<1x8x512xf32, #tpu.memory_space<vmem>> -> memref<8x512xf32, #tpu.memory_space<vmem>>
        %dma_start3A_452 = arith.constant 0 : i32
        %dma_start3A_453 = tpu.memref_slice %arg2[%add3A_30, %add3A_446, %dma_start3A_452] : memref<8x512x512xf32, #tpu.memory_space<hbm>> -> memref<1x8x512xf32, #tpu.memory_space<hbm>>
        %dma_start3A_454 = tpu.memref_squeeze %dma_start3A_453 : memref<1x8x512xf32, #tpu.memory_space<hbm>> -> memref<8x512xf32, #tpu.memory_space<hbm>>
        %dma_start3A_455 = arith.constant 0 : i32
        %dma_start3A_456 = arith.constant 0 : i32
        %dma_start3A_457 = tpu.memref_slice %arg6[%dma_start3A_447, %dma_start3A_455, %dma_start3A_456] : memref<2x8x512xf32, #tpu.memory_space<vmem>> -> memref<1x8x512xf32, #tpu.memory_space<vmem>>
        %dma_start3A_458 = tpu.memref_squeeze %dma_start3A_457 : memref<1x8x512xf32, #tpu.memory_space<vmem>> -> memref<8x512xf32, #tpu.memory_space<vmem>>
        %dma_start3A_459 = arith.constant 0 : i32
        %dma_start3A_460 = tpu.memref_slice %arg2[%add3A_30, %add3A_446, %dma_start3A_459] : memref<8x512x512xf32, #tpu.memory_space<hbm>> -> memref<1x8x512xf32, #tpu.memory_space<hbm>>
        %dma_start3A_461 = tpu.memref_squeeze %dma_start3A_460 : memref<1x8x512xf32, #tpu.memory_space<hbm>> -> memref<8x512xf32, #tpu.memory_space<hbm>>
        tpu.enqueue_dma source(%dma_start3A_461 : memref<8x512xf32, #tpu.memory_space<hbm>>) target(%dma_start3A_458 : memref<8x512xf32, #tpu.memory_space<vmem>>) target_semaphore(%arg12 : memref<!tpu.dma_semaphore, #tpu.memory_space<semaphore_mem>>)
        %mul3A_462 = arith.constant 2 : i32
        %mul3A_463 = arith.muli %mul3A_462, %add3A_30 : i32
        %dma_start3A_464 = arith.constant 1 : i32
        %dma_start3A_465 = arith.constant 0 : i32
        %dma_start3A_466 = arith.constant 0 : i32
        %dma_start3A_467 = tpu.memref_slice %arg7[%dma_start3A_464, %dma_start3A_465, %dma_start3A_466] : memref<2x8x512xf32, #tpu.memory_space<vmem>> -> memref<1x8x512xf32, #tpu.memory_space<vmem>>
        %dma_start3A_468 = tpu.memref_squeeze %dma_start3A_467 : memref<1x8x512xf32, #tpu.memory_space<vmem>> -> memref<8x512xf32, #tpu.memory_space<vmem>>
        %dma_start3A_469 = arith.constant 0 : i32
        %dma_start3A_470 = tpu.memref_slice %arg3[%mul3A_463, %add3A_446, %dma_start3A_469] : memref<16x512x512xf32, #tpu.memory_space<hbm>> -> memref<1x8x512xf32, #tpu.memory_space<hbm>>
        %dma_start3A_471 = tpu.memref_squeeze %dma_start3A_470 : memref<1x8x512xf32, #tpu.memory_space<hbm>> -> memref<8x512xf32, #tpu.memory_space<hbm>>
        %dma_start3A_472 = arith.constant 0 : i32
        %dma_start3A_473 = arith.constant 0 : i32
        %dma_start3A_474 = tpu.memref_slice %arg7[%dma_start3A_464, %dma_start3A_472, %dma_start3A_473] : memref<2x8x512xf32, #tpu.memory_space<vmem>> -> memref<1x8x512xf32, #tpu.memory_space<vmem>>
        %dma_start3A_475 = tpu.memref_squeeze %dma_start3A_474 : memref<1x8x512xf32, #tpu.memory_space<vmem>> -> memref<8x512xf32, #tpu.memory_space<vmem>>
        %dma_start3A_476 = arith.constant 0 : i32
        %dma_start3A_477 = tpu.memref_slice %arg3[%mul3A_463, %add3A_446, %dma_start3A_476] : memref<16x512x512xf32, #tpu.memory_space<hbm>> -> memref<1x8x512xf32, #tpu.memory_space<hbm>>
        %dma_start3A_478 = tpu.memref_squeeze %dma_start3A_477 : memref<1x8x512xf32, #tpu.memory_space<hbm>> -> memref<8x512xf32, #tpu.memory_space<hbm>>
        tpu.enqueue_dma source(%dma_start3A_478 : memref<8x512xf32, #tpu.memory_space<hbm>>) target(%dma_start3A_475 : memref<8x512xf32, #tpu.memory_space<vmem>>) target_semaphore(%arg12 : memref<!tpu.dma_semaphore, #tpu.memory_space<semaphore_mem>>)
        %mul3A_479 = arith.constant 2 : i32
        %mul3A_480 = arith.muli %mul3A_479, %add3A_30 : i32
        %add3A_481 = arith.constant 1 : i32
        %add3A_482 = arith.addi %mul3A_480, %add3A_481 : i32
        %dma_start3A_483 = arith.constant 1 : i32
        %dma_start3A_484 = arith.constant 0 : i32
        %dma_start3A_485 = arith.constant 0 : i32
        %dma_start3A_486 = tpu.memref_slice %arg8[%dma_start3A_483, %dma_start3A_484, %dma_start3A_485] : memref<2x8x512xf32, #tpu.memory_space<vmem>> -> memref<1x8x512xf32, #tpu.memory_space<vmem>>
        %dma_start3A_487 = tpu.memref_squeeze %dma_start3A_486 : memref<1x8x512xf32, #tpu.memory_space<vmem>> -> memref<8x512xf32, #tpu.memory_space<vmem>>
        %dma_start3A_488 = arith.constant 0 : i32
        %dma_start3A_489 = tpu.memref_slice %arg3[%add3A_482, %add3A_446, %dma_start3A_488] : memref<16x512x512xf32, #tpu.memory_space<hbm>> -> memref<1x8x512xf32, #tpu.memory_space<hbm>>
        %dma_start3A_490 = tpu.memref_squeeze %dma_start3A_489 : memref<1x8x512xf32, #tpu.memory_space<hbm>> -> memref<8x512xf32, #tpu.memory_space<hbm>>
        %dma_start3A_491 = arith.constant 0 : i32
        %dma_start3A_492 = arith.constant 0 : i32
        %dma_start3A_493 = tpu.memref_slice %arg8[%dma_start3A_483, %dma_start3A_491, %dma_start3A_492] : memref<2x8x512xf32, #tpu.memory_space<vmem>> -> memref<1x8x512xf32, #tpu.memory_space<vmem>>
        %dma_start3A_494 = tpu.memref_squeeze %dma_start3A_493 : memref<1x8x512xf32, #tpu.memory_space<vmem>> -> memref<8x512xf32, #tpu.memory_space<vmem>>
        %dma_start3A_495 = arith.constant 0 : i32
        %dma_start3A_496 = tpu.memref_slice %arg3[%add3A_482, %add3A_446, %dma_start3A_495] : memref<16x512x512xf32, #tpu.memory_space<hbm>> -> memref<1x8x512xf32, #tpu.memory_space<hbm>>
        %dma_start3A_497 = tpu.memref_squeeze %dma_start3A_496 : memref<1x8x512xf32, #tpu.memory_space<hbm>> -> memref<8x512xf32, #tpu.memory_space<hbm>>
        tpu.enqueue_dma source(%dma_start3A_497 : memref<8x512xf32, #tpu.memory_space<hbm>>) target(%dma_start3A_494 : memref<8x512xf32, #tpu.memory_space<vmem>>) target_semaphore(%arg12 : memref<!tpu.dma_semaphore, #tpu.memory_space<semaphore_mem>>)
      } else {
      }
      %mul3A_278 = arith.constant 8 : i32
      %mul3A_279 = arith.muli %add3A_271, %mul3A_278 : i32
      %add3A_280 = arith.addi %mul3A_41, %mul3A_279 : i32
      %dma_wait3A_281 = arith.constant 0 : i32
      %dma_wait3A_282 = arith.constant 0 : i32
      %dma_wait3A_283 = arith.constant 0 : i32
      %dma_wait3A_284 = tpu.memref_slice %arg6[%dma_wait3A_281, %dma_wait3A_282, %dma_wait3A_283] : memref<2x8x512xf32, #tpu.memory_space<vmem>> -> memref<1x8x512xf32, #tpu.memory_space<vmem>>
      %dma_wait3A_285 = tpu.memref_squeeze %dma_wait3A_284 : memref<1x8x512xf32, #tpu.memory_space<vmem>> -> memref<8x512xf32, #tpu.memory_space<vmem>>
      %dma_wait3A_286 = arith.constant 0 : i32
      %dma_wait3A_287 = tpu.memref_slice %arg2[%add3A_30, %add3A_280, %dma_wait3A_286] : memref<8x512x512xf32, #tpu.memory_space<hbm>> -> memref<1x8x512xf32, #tpu.memory_space<hbm>>
      %dma_wait3A_288 = tpu.memref_squeeze %dma_wait3A_287 : memref<1x8x512xf32, #tpu.memory_space<hbm>> -> memref<8x512xf32, #tpu.memory_space<hbm>>
      %dma_wait3A_289 = arith.constant 0 : i32
      %dma_wait3A_290 = arith.constant 0 : i32
      %dma_wait3A_291 = tpu.memref_slice %arg6[%dma_wait3A_281, %dma_wait3A_289, %dma_wait3A_290] : memref<2x8x512xf32, #tpu.memory_space<vmem>> -> memref<1x8x512xf32, #tpu.memory_space<vmem>>
      %dma_wait3A_292 = tpu.memref_squeeze %dma_wait3A_291 : memref<1x8x512xf32, #tpu.memory_space<vmem>> -> memref<8x512xf32, #tpu.memory_space<vmem>>
      %dma_wait3A_293 = arith.constant 0 : i32
      %dma_wait3A_294 = tpu.memref_slice %arg2[%add3A_30, %add3A_280, %dma_wait3A_293] : memref<8x512x512xf32, #tpu.memory_space<hbm>> -> memref<1x8x512xf32, #tpu.memory_space<hbm>>
      %dma_wait3A_295 = tpu.memref_squeeze %dma_wait3A_294 : memref<1x8x512xf32, #tpu.memory_space<hbm>> -> memref<8x512xf32, #tpu.memory_space<hbm>>
      tpu.wait_dma2 semaphore(%arg12 : memref<!tpu.dma_semaphore, #tpu.memory_space<semaphore_mem>>) src(%dma_wait3A_295 : memref<8x512xf32, #tpu.memory_space<hbm>>) dst(%dma_wait3A_292 : memref<8x512xf32, #tpu.memory_space<vmem>>)
      %mul3A_296 = arith.constant 2 : i32
      %mul3A_297 = arith.muli %mul3A_296, %add3A_30 : i32
      %dma_wait3A_298 = arith.constant 0 : i32
      %dma_wait3A_299 = arith.constant 0 : i32
      %dma_wait3A_300 = arith.constant 0 : i32
      %dma_wait3A_301 = tpu.memref_slice %arg7[%dma_wait3A_298, %dma_wait3A_299, %dma_wait3A_300] : memref<2x8x512xf32, #tpu.memory_space<vmem>> -> memref<1x8x512xf32, #tpu.memory_space<vmem>>
      %dma_wait3A_302 = tpu.memref_squeeze %dma_wait3A_301 : memref<1x8x512xf32, #tpu.memory_space<vmem>> -> memref<8x512xf32, #tpu.memory_space<vmem>>
      %dma_wait3A_303 = arith.constant 0 : i32
      %dma_wait3A_304 = tpu.memref_slice %arg3[%mul3A_297, %add3A_280, %dma_wait3A_303] : memref<16x512x512xf32, #tpu.memory_space<hbm>> -> memref<1x8x512xf32, #tpu.memory_space<hbm>>
      %dma_wait3A_305 = tpu.memref_squeeze %dma_wait3A_304 : memref<1x8x512xf32, #tpu.memory_space<hbm>> -> memref<8x512xf32, #tpu.memory_space<hbm>>
      %dma_wait3A_306 = arith.constant 0 : i32
      %dma_wait3A_307 = arith.constant 0 : i32
      %dma_wait3A_308 = tpu.memref_slice %arg7[%dma_wait3A_298, %dma_wait3A_306, %dma_wait3A_307] : memref<2x8x512xf32, #tpu.memory_space<vmem>> -> memref<1x8x512xf32, #tpu.memory_space<vmem>>
      %dma_wait3A_309 = tpu.memref_squeeze %dma_wait3A_308 : memref<1x8x512xf32, #tpu.memory_space<vmem>> -> memref<8x512xf32, #tpu.memory_space<vmem>>
      %dma_wait3A_310 = arith.constant 0 : i32
      %dma_wait3A_311 = tpu.memref_slice %arg3[%mul3A_297, %add3A_280, %dma_wait3A_310] : memref<16x512x512xf32, #tpu.memory_space<hbm>> -> memref<1x8x512xf32, #tpu.memory_space<hbm>>
      %dma_wait3A_312 = tpu.memref_squeeze %dma_wait3A_311 : memref<1x8x512xf32, #tpu.memory_space<hbm>> -> memref<8x512xf32, #tpu.memory_space<hbm>>
      tpu.wait_dma2 semaphore(%arg12 : memref<!tpu.dma_semaphore, #tpu.memory_space<semaphore_mem>>) src(%dma_wait3A_312 : memref<8x512xf32, #tpu.memory_space<hbm>>) dst(%dma_wait3A_309 : memref<8x512xf32, #tpu.memory_space<vmem>>)
      %mul3A_313 = arith.constant 2 : i32
      %mul3A_314 = arith.muli %mul3A_313, %add3A_30 : i32
      %add3A_315 = arith.constant 1 : i32
      %add3A_316 = arith.addi %mul3A_314, %add3A_315 : i32
      %dma_wait3A_317 = arith.constant 0 : i32
      %dma_wait3A_318 = arith.constant 0 : i32
      %dma_wait3A_319 = arith.constant 0 : i32
      %dma_wait3A_320 = tpu.memref_slice %arg8[%dma_wait3A_317, %dma_wait3A_318, %dma_wait3A_319] : memref<2x8x512xf32, #tpu.memory_space<vmem>> -> memref<1x8x512xf32, #tpu.memory_space<vmem>>
      %dma_wait3A_321 = tpu.memref_squeeze %dma_wait3A_320 : memref<1x8x512xf32, #tpu.memory_space<vmem>> -> memref<8x512xf32, #tpu.memory_space<vmem>>
      %dma_wait3A_322 = arith.constant 0 : i32
      %dma_wait3A_323 = tpu.memref_slice %arg3[%add3A_316, %add3A_280, %dma_wait3A_322] : memref<16x512x512xf32, #tpu.memory_space<hbm>> -> memref<1x8x512xf32, #tpu.memory_space<hbm>>
      %dma_wait3A_324 = tpu.memref_squeeze %dma_wait3A_323 : memref<1x8x512xf32, #tpu.memory_space<hbm>> -> memref<8x512xf32, #tpu.memory_space<hbm>>
      %dma_wait3A_325 = arith.constant 0 : i32
      %dma_wait3A_326 = arith.constant 0 : i32
      %dma_wait3A_327 = tpu.memref_slice %arg8[%dma_wait3A_317, %dma_wait3A_325, %dma_wait3A_326] : memref<2x8x512xf32, #tpu.memory_space<vmem>> -> memref<1x8x512xf32, #tpu.memory_space<vmem>>
      %dma_wait3A_328 = tpu.memref_squeeze %dma_wait3A_327 : memref<1x8x512xf32, #tpu.memory_space<vmem>> -> memref<8x512xf32, #tpu.memory_space<vmem>>
      %dma_wait3A_329 = arith.constant 0 : i32
      %dma_wait3A_330 = tpu.memref_slice %arg3[%add3A_316, %add3A_280, %dma_wait3A_329] : memref<16x512x512xf32, #tpu.memory_space<hbm>> -> memref<1x8x512xf32, #tpu.memory_space<hbm>>
      %dma_wait3A_331 = tpu.memref_squeeze %dma_wait3A_330 : memref<1x8x512xf32, #tpu.memory_space<hbm>> -> memref<8x512xf32, #tpu.memory_space<hbm>>
      tpu.wait_dma2 semaphore(%arg12 : memref<!tpu.dma_semaphore, #tpu.memory_space<semaphore_mem>>) src(%dma_wait3A_331 : memref<8x512xf32, #tpu.memory_space<hbm>>) dst(%dma_wait3A_328 : memref<8x512xf32, #tpu.memory_space<vmem>>)
      %ge3A = arith.constant 2 : i32
      %ge3A_332 = arith.cmpi sge, %add3A_271, %ge3A : i32
      %convert_element_type3A_333 = arith.extui %ge3A_332 : i1 to i32
      %cond3A_334 = arith.constant 0 : i32
      %cond3A_335 = arith.cmpi ne, %convert_element_type3A_333, %cond3A_334 : i32
      scf.if %cond3A_335 {
        %dma_wait3A_442 = arith.constant 0 : i32
        %dma_wait3A_443 = arith.constant 0 : i32
        %dma_wait3A_444 = arith.constant 0 : i32
        %dma_wait3A_445 = arith.constant 0 : i32
        %dma_wait3A_446 = arith.constant 0 : i32
        %dma_wait3A_447 = tpu.memref_slice %arg10[%dma_wait3A_442, %dma_wait3A_443, %dma_wait3A_446] : memref<2x1x4096xf32, #tpu.memory_space<vmem>> -> memref<1x1x4096xf32, #tpu.memory_space<vmem>>
        %dma_wait3A_448 = tpu.memref_squeeze %dma_wait3A_447 : memref<1x1x4096xf32, #tpu.memory_space<vmem>> -> memref<4096xf32, #tpu.memory_space<vmem>>
        %dma_wait3A_449 = arith.constant 0 : i32
        %dma_wait3A_450 = tpu.memref_slice %arg9[%dma_wait3A_444, %dma_wait3A_445, %dma_wait3A_449] : memref<2x1x4096xi32, #tpu.memory_space<vmem>> -> memref<1x1x4096xi32, #tpu.memory_space<vmem>>
        %dma_wait3A_451 = tpu.memref_squeeze %dma_wait3A_450 : memref<1x1x4096xi32, #tpu.memory_space<vmem>> -> memref<4096xi32, #tpu.memory_space<vmem>>
        %dma_wait3A_452 = arith.constant 0 : i32
        %dma_wait3A_453 = tpu.memref_slice %arg5[%dma_wait3A_452] : memref<1048576xf32, #tpu.memory_space<vmem_shared>> -> memref<1048576xf32, #tpu.memory_space<vmem_shared>>
        tpu.wait_indirect_dma semaphore(%arg13 : memref<!tpu.dma_semaphore, #tpu.memory_space<semaphore_mem>>) src(%dma_wait3A_448 : memref<4096xf32, #tpu.memory_space<vmem>>) dst(%dma_wait3A_453 : memref<1048576xf32, #tpu.memory_space<vmem_shared>>)
      } else {
      }
      %mul3A_336 = arith.constant 8 : i32
      %mul3A_337 = arith.muli %add3A_271, %mul3A_336 : i32
      %add3A_338 = arith.addi %mul3A_41, %mul3A_337 : i32
      %parallel_loop3A = arith.constant 0 : i32
      %parallel_loop3A_339 = arith.constant 256 : i32
      %parallel_loop3A_340 = arith.constant 1 : i32
      scf.for %parallel_loop3A_442 = %parallel_loop3A to %parallel_loop3A_339 step %parallel_loop3A_340  : i32 {
        %parallel_loop3A_443 = arith.constant 5 : i32
        %parallel_loop3A_444 = arith.shrsi %parallel_loop3A_442, %parallel_loop3A_443 : i32
        %parallel_loop3A_445 = arith.constant 31 : i32
        %parallel_loop3A_446 = arith.andi %parallel_loop3A_442, %parallel_loop3A_445 : i32
        %parallel_loop3A_447 = arith.constant 16 : i32
        %parallel_loop3A_448 = arith.muli %parallel_loop3A_446, %parallel_loop3A_447 : i32
        %parallel_loop3A_449 = arith.addi %add3A_338, %parallel_loop3A_444 : i32
        %parallel_loop3A_450 = arith.constant 0 : i32
        %parallel_loop3A_451 = arith.index_cast %parallel_loop3A_450 : i32 to index
        %parallel_loop3A_452 = arith.index_cast %parallel_loop3A_444 : i32 to index
        %parallel_loop3A_453 = arith.index_cast %parallel_loop3A_448 : i32 to index
        %parallel_loop3A_454 = tpu.vector_load %arg7[%parallel_loop3A_451, %parallel_loop3A_452, %parallel_loop3A_453] {strides = array<i32>} : memref<2x8x512xf32, #tpu.memory_space<vmem>>, vector<1x1x16xf32>,
        %parallel_loop3A_455 = vector.shape_cast %parallel_loop3A_454 : vector<1x1x16xf32> to vector<16xf32>
        %parallel_loop3A_456 = arith.constant 0 : i32
        %parallel_loop3A_457 = arith.index_cast %parallel_loop3A_456 : i32 to index
        %parallel_loop3A_458 = arith.index_cast %parallel_loop3A_444 : i32 to index
        %parallel_loop3A_459 = arith.index_cast %parallel_loop3A_448 : i32 to index
        %parallel_loop3A_460 = tpu.vector_load %arg8[%parallel_loop3A_457, %parallel_loop3A_458, %parallel_loop3A_459] {strides = array<i32>} : memref<2x8x512xf32, #tpu.memory_space<vmem>>, vector<1x1x16xf32>,
        %parallel_loop3A_461 = vector.shape_cast %parallel_loop3A_460 : vector<1x1x16xf32> to vector<16xf32>
        %parallel_loop3A_462 = arith.constant 0 : i32
        %parallel_loop3A_463 = arith.index_cast %parallel_loop3A_462 : i32 to index
        %parallel_loop3A_464 = arith.index_cast %parallel_loop3A_444 : i32 to index
        %parallel_loop3A_465 = arith.index_cast %parallel_loop3A_448 : i32 to index
        %parallel_loop3A_466 = tpu.vector_load %arg6[%parallel_loop3A_463, %parallel_loop3A_464, %parallel_loop3A_465] {strides = array<i32>} : memref<2x8x512xf32, #tpu.memory_space<vmem>>, vector<1x1x16xf32>,
        %parallel_loop3A_467 = vector.shape_cast %parallel_loop3A_466 : vector<1x1x16xf32> to vector<16xf32>
        %parallel_loop3A_468 = arith.sitofp %parallel_loop3A_448 : i32 to f32
        %parallel_loop3A_469 = vector.broadcast %parallel_loop3A_468 : f32 to vector<16xf32>
        %parallel_loop3A_470 = arith.addf %parallel_loop3A_469, %convert_element_type3A : vector<16xf32>
        %parallel_loop3A_471 = arith.sitofp %parallel_loop3A_449 : i32 to f32
        %parallel_loop3A_472 = vector.broadcast %parallel_loop3A_471 : f32 to vector<16xf32>
        %parallel_loop3A_473 = arith.constant 1.500000e+01 : f32
        %parallel_loop3A_474 = vector.broadcast %parallel_loop3A_473 : f32 to vector<16xf32>
        %parallel_loop3A_475 = arith.mulf %parallel_loop3A_474, %parallel_loop3A_455 : vector<16xf32>
        %parallel_loop3A_476 = arith.addf %parallel_loop3A_470, %parallel_loop3A_475 : vector<16xf32>
        %parallel_loop3A_477 = arith.constant 0x4B400000 : f32
        %parallel_loop3A_478 = vector.broadcast %parallel_loop3A_477 : f32 to vector<16xf32>
        %parallel_loop3A_479 = arith.addf %parallel_loop3A_476, %parallel_loop3A_478 : vector<16xf32>
        %parallel_loop3A_480 = tpu.bitcast %parallel_loop3A_479 : vector<16xf32> -> vector<16xi32>
        %parallel_loop3A_481 = arith.constant 1262485504 : i32
        %parallel_loop3A_482 = vector.broadcast %parallel_loop3A_481 : i32 to vector<16xi32>
        %parallel_loop3A_483 = arith.subi %parallel_loop3A_480, %parallel_loop3A_482 : vector<16xi32>
        %parallel_loop3A_484 = arith.constant 1.500000e+01 : f32
        %parallel_loop3A_485 = vector.broadcast %parallel_loop3A_484 : f32 to vector<16xf32>
        %parallel_loop3A_486 = arith.mulf %parallel_loop3A_485, %parallel_loop3A_461 : vector<16xf32>
        %parallel_loop3A_487 = arith.addf %parallel_loop3A_472, %parallel_loop3A_486 : vector<16xf32>
        %parallel_loop3A_488 = arith.constant 0x4B400000 : f32
        %parallel_loop3A_489 = vector.broadcast %parallel_loop3A_488 : f32 to vector<16xf32>
        %parallel_loop3A_490 = arith.addf %parallel_loop3A_487, %parallel_loop3A_489 : vector<16xf32>
        %parallel_loop3A_491 = tpu.bitcast %parallel_loop3A_490 : vector<16xf32> -> vector<16xi32>
        %parallel_loop3A_492 = arith.constant 1262485504 : i32
        %parallel_loop3A_493 = vector.broadcast %parallel_loop3A_492 : i32 to vector<16xi32>
        %parallel_loop3A_494 = arith.subi %parallel_loop3A_491, %parallel_loop3A_493 : vector<16xi32>
        %parallel_loop3A_495 = arith.ori %parallel_loop3A_483, %parallel_loop3A_494 : vector<16xi32>
        %parallel_loop3A_496 = arith.constant -512 : i32
        %parallel_loop3A_497 = vector.broadcast %parallel_loop3A_496 : i32 to vector<16xi32>
        %parallel_loop3A_498 = arith.andi %parallel_loop3A_495, %parallel_loop3A_497 : vector<16xi32>
        %parallel_loop3A_499 = arith.constant 0 : i32
        %parallel_loop3A_500 = vector.broadcast %parallel_loop3A_499 : i32 to vector<16xi32>
        %parallel_loop3A_501 = arith.cmpi eq, %parallel_loop3A_498, %parallel_loop3A_500 : vector<16xi32>
        %parallel_loop3A_502 = arith.constant 1.000000e-01 : f32
        %parallel_loop3A_503 = vector.broadcast %parallel_loop3A_502 : f32 to vector<16xf32>
        %parallel_loop3A_504 = arith.cmpf ogt, %parallel_loop3A_467, %parallel_loop3A_503 : vector<16xf32>
        %parallel_loop3A_505 = arith.andi %parallel_loop3A_504, %parallel_loop3A_501 : vector<16xi1>
        %parallel_loop3A_506 = arith.constant 0.000000e+00 : f32
        %parallel_loop3A_507 = vector.broadcast %parallel_loop3A_506 : f32 to vector<16xf32>
        %parallel_loop3A_508 = arith.select %parallel_loop3A_505, %parallel_loop3A_467, %parallel_loop3A_507 : vector<16xi1>, vector<16xf32>
        %parallel_loop3A_509 = arith.constant 512 : i32
        %parallel_loop3A_510 = vector.broadcast %parallel_loop3A_509 : i32 to vector<16xi32>
        %parallel_loop3A_511 = arith.muli %parallel_loop3A_494, %parallel_loop3A_510 : vector<16xi32>
        %parallel_loop3A_512 = arith.addi %parallel_loop3A_511, %parallel_loop3A_483 : vector<16xi32>
        %parallel_loop3A_513 = arith.constant 0 : i32
        %parallel_loop3A_514 = vector.broadcast %parallel_loop3A_513 : i32 to vector<16xi32>
        %parallel_loop3A_515 = arith.maxsi %parallel_loop3A_512, %parallel_loop3A_514 : vector<16xi32>
        %parallel_loop3A_516 = arith.constant 262143 : i32
        %parallel_loop3A_517 = vector.broadcast %parallel_loop3A_516 : i32 to vector<16xi32>
        %parallel_loop3A_518 = arith.minsi %parallel_loop3A_515, %parallel_loop3A_517 : vector<16xi32>
        %parallel_loop3A_519 = arith.addi %mul3A_37, %parallel_loop3A_518 : vector<16xi32>
        %parallel_loop3A_520 = arith.constant 16 : i32
        %parallel_loop3A_521 = arith.muli %parallel_loop3A_442, %parallel_loop3A_520 : i32
        %parallel_loop3A_522 = arith.constant 0 : i32
        %parallel_loop3A_523 = arith.constant 0 : i32
        %parallel_loop3A_524 = arith.index_cast %parallel_loop3A_522 : i32 to index
        %parallel_loop3A_525 = arith.index_cast %parallel_loop3A_523 : i32 to index
        %parallel_loop3A_526 = arith.index_cast %parallel_loop3A_521 : i32 to index
        %parallel_loop3A_527 = tpu.vector_load %arg9[%parallel_loop3A_524, %parallel_loop3A_525, %parallel_loop3A_526] {strides = array<i32>} : memref<2x1x4096xi32, #tpu.memory_space<vmem>>, vector<1x1x16xi32>,
        %parallel_loop3A_528 = vector.shape_cast %parallel_loop3A_527 : vector<1x1x16xi32> to vector<16xi32>
        %parallel_loop3A_529 = vector.shape_cast %parallel_loop3A_519 : vector<16xi32> to vector<1x1x16xi32>
        tpu.vector_store %arg9[%parallel_loop3A_524, %parallel_loop3A_525, %parallel_loop3A_526], %parallel_loop3A_529 {strides = array<i32>} : memref<2x1x4096xi32, #tpu.memory_space<vmem>>, vector<1x1x16xi32>,
        %parallel_loop3A_530 = arith.constant 16 : i32
        %parallel_loop3A_531 = arith.muli %parallel_loop3A_442, %parallel_loop3A_530 : i32
        %parallel_loop3A_532 = arith.constant 0 : i32
        %parallel_loop3A_533 = arith.constant 0 : i32
        %parallel_loop3A_534 = arith.index_cast %parallel_loop3A_532 : i32 to index
        %parallel_loop3A_535 = arith.index_cast %parallel_loop3A_533 : i32 to index
        %parallel_loop3A_536 = arith.index_cast %parallel_loop3A_531 : i32 to index
        %parallel_loop3A_537 = tpu.vector_load %arg10[%parallel_loop3A_534, %parallel_loop3A_535, %parallel_loop3A_536] {strides = array<i32>} : memref<2x1x4096xf32, #tpu.memory_space<vmem>>, vector<1x1x16xf32>,
        %parallel_loop3A_538 = vector.shape_cast %parallel_loop3A_537 : vector<1x1x16xf32> to vector<16xf32>
        %parallel_loop3A_539 = vector.shape_cast %parallel_loop3A_508 : vector<16xf32> to vector<1x1x16xf32>
        tpu.vector_store %arg10[%parallel_loop3A_534, %parallel_loop3A_535, %parallel_loop3A_536], %parallel_loop3A_539 {strides = array<i32>} : memref<2x1x4096xf32, #tpu.memory_space<vmem>>, vector<1x1x16xf32>,
      } {sc.loop_unroll_factor = 8 : i64, sc.parallel_access}
      %dma_start3A_341 = arith.constant 0 : i32
      %dma_start3A_342 = arith.constant 0 : i32
      %dma_start3A_343 = arith.constant 0 : i32
      %dma_start3A_344 = arith.constant 0 : i32
      %dma_start3A_345 = arith.constant 0 : i32
      %dma_start3A_346 = tpu.memref_slice %arg10[%dma_start3A_341, %dma_start3A_342, %dma_start3A_345] : memref<2x1x4096xf32, #tpu.memory_space<vmem>> -> memref<1x1x4096xf32, #tpu.memory_space<vmem>>
      %dma_start3A_347 = tpu.memref_squeeze %dma_start3A_346 : memref<1x1x4096xf32, #tpu.memory_space<vmem>> -> memref<4096xf32, #tpu.memory_space<vmem>>
      %dma_start3A_348 = arith.constant 0 : i32
      %dma_start3A_349 = tpu.memref_slice %arg9[%dma_start3A_343, %dma_start3A_344, %dma_start3A_348] : memref<2x1x4096xi32, #tpu.memory_space<vmem>> -> memref<1x1x4096xi32, #tpu.memory_space<vmem>>
      %dma_start3A_350 = tpu.memref_squeeze %dma_start3A_349 : memref<1x1x4096xi32, #tpu.memory_space<vmem>> -> memref<4096xi32, #tpu.memory_space<vmem>>
      %dma_start3A_351 = arith.constant 0 : i32
      %dma_start3A_352 = tpu.memref_slice %arg5[%dma_start3A_351] : memref<1048576xf32, #tpu.memory_space<vmem_shared>> -> memref<1048576xf32, #tpu.memory_space<vmem_shared>>
      tpu.enqueue_indirect_dma source(%dma_start3A_347 : memref<4096xf32, #tpu.memory_space<vmem>>) target(%dma_start3A_352 : memref<1048576xf32, #tpu.memory_space<vmem_shared>>) offsets(%dma_start3A_350 : memref<4096xi32, #tpu.memory_space<vmem>>) semaphore(%arg13 : memref<!tpu.dma_semaphore, #tpu.memory_space<semaphore_mem>>) {add = true}
      %mul3A_353 = arith.constant 2 : i32
      %mul3A_354 = arith.muli %mul3A_353, %scan3A_266 : i32
      %add3A_355 = arith.constant 1 : i32
      %add3A_356 = arith.addi %mul3A_354, %add3A_355 : i32
      %add3A_357 = arith.constant 1 : i32
      %add3A_358 = arith.addi %add3A_356, %add3A_357 : i32
      %lt3A_359 = arith.constant 16 : i32
      %lt3A_360 = arith.cmpi slt, %add3A_358, %lt3A_359 : i32
      %convert_element_type3A_361 = arith.extui %lt3A_360 : i1 to i32
      %cond3A_362 = arith.constant 0 : i32
      %cond3A_363 = arith.cmpi ne, %convert_element_type3A_361, %cond3A_362 : i32
      scf.if %cond3A_363 {
        %add3A_442 = arith.constant 1 : i32
        %add3A_443 = arith.addi %add3A_356, %add3A_442 : i32
        %mul3A_444 = arith.constant 8 : i32
        %mul3A_445 = arith.muli %add3A_443, %mul3A_444 : i32
        %add3A_446 = arith.addi %mul3A_41, %mul3A_445 : i32
        %dma_start3A_447 = arith.constant 0 : i32
        %dma_start3A_448 = arith.constant 0 : i32
        %dma_start3A_449 = arith.constant 0 : i32
        %dma_start3A_450 = tpu.memref_slice %arg6[%dma_start3A_447, %dma_start3A_448, %dma_start3A_449] : memref<2x8x512xf32, #tpu.memory_space<vmem>> -> memref<1x8x512xf32, #tpu.memory_space<vmem>>
        %dma_start3A_451 = tpu.memref_squeeze %dma_start3A_450 : memref<1x8x512xf32, #tpu.memory_space<vmem>> -> memref<8x512xf32, #tpu.memory_space<vmem>>
        %dma_start3A_452 = arith.constant 0 : i32
        %dma_start3A_453 = tpu.memref_slice %arg2[%add3A_30, %add3A_446, %dma_start3A_452] : memref<8x512x512xf32, #tpu.memory_space<hbm>> -> memref<1x8x512xf32, #tpu.memory_space<hbm>>
        %dma_start3A_454 = tpu.memref_squeeze %dma_start3A_453 : memref<1x8x512xf32, #tpu.memory_space<hbm>> -> memref<8x512xf32, #tpu.memory_space<hbm>>
        %dma_start3A_455 = arith.constant 0 : i32
        %dma_start3A_456 = arith.constant 0 : i32
        %dma_start3A_457 = tpu.memref_slice %arg6[%dma_start3A_447, %dma_start3A_455, %dma_start3A_456] : memref<2x8x512xf32, #tpu.memory_space<vmem>> -> memref<1x8x512xf32, #tpu.memory_space<vmem>>
        %dma_start3A_458 = tpu.memref_squeeze %dma_start3A_457 : memref<1x8x512xf32, #tpu.memory_space<vmem>> -> memref<8x512xf32, #tpu.memory_space<vmem>>
        %dma_start3A_459 = arith.constant 0 : i32
        %dma_start3A_460 = tpu.memref_slice %arg2[%add3A_30, %add3A_446, %dma_start3A_459] : memref<8x512x512xf32, #tpu.memory_space<hbm>> -> memref<1x8x512xf32, #tpu.memory_space<hbm>>
        %dma_start3A_461 = tpu.memref_squeeze %dma_start3A_460 : memref<1x8x512xf32, #tpu.memory_space<hbm>> -> memref<8x512xf32, #tpu.memory_space<hbm>>
        tpu.enqueue_dma source(%dma_start3A_461 : memref<8x512xf32, #tpu.memory_space<hbm>>) target(%dma_start3A_458 : memref<8x512xf32, #tpu.memory_space<vmem>>) target_semaphore(%arg12 : memref<!tpu.dma_semaphore, #tpu.memory_space<semaphore_mem>>)
        %mul3A_462 = arith.constant 2 : i32
        %mul3A_463 = arith.muli %mul3A_462, %add3A_30 : i32
        %dma_start3A_464 = arith.constant 0 : i32
        %dma_start3A_465 = arith.constant 0 : i32
        %dma_start3A_466 = arith.constant 0 : i32
        %dma_start3A_467 = tpu.memref_slice %arg7[%dma_start3A_464, %dma_start3A_465, %dma_start3A_466] : memref<2x8x512xf32, #tpu.memory_space<vmem>> -> memref<1x8x512xf32, #tpu.memory_space<vmem>>
        %dma_start3A_468 = tpu.memref_squeeze %dma_start3A_467 : memref<1x8x512xf32, #tpu.memory_space<vmem>> -> memref<8x512xf32, #tpu.memory_space<vmem>>
        %dma_start3A_469 = arith.constant 0 : i32
        %dma_start3A_470 = tpu.memref_slice %arg3[%mul3A_463, %add3A_446, %dma_start3A_469] : memref<16x512x512xf32, #tpu.memory_space<hbm>> -> memref<1x8x512xf32, #tpu.memory_space<hbm>>
        %dma_start3A_471 = tpu.memref_squeeze %dma_start3A_470 : memref<1x8x512xf32, #tpu.memory_space<hbm>> -> memref<8x512xf32, #tpu.memory_space<hbm>>
        %dma_start3A_472 = arith.constant 0 : i32
        %dma_start3A_473 = arith.constant 0 : i32
        %dma_start3A_474 = tpu.memref_slice %arg7[%dma_start3A_464, %dma_start3A_472, %dma_start3A_473] : memref<2x8x512xf32, #tpu.memory_space<vmem>> -> memref<1x8x512xf32, #tpu.memory_space<vmem>>
        %dma_start3A_475 = tpu.memref_squeeze %dma_start3A_474 : memref<1x8x512xf32, #tpu.memory_space<vmem>> -> memref<8x512xf32, #tpu.memory_space<vmem>>
        %dma_start3A_476 = arith.constant 0 : i32
        %dma_start3A_477 = tpu.memref_slice %arg3[%mul3A_463, %add3A_446, %dma_start3A_476] : memref<16x512x512xf32, #tpu.memory_space<hbm>> -> memref<1x8x512xf32, #tpu.memory_space<hbm>>
        %dma_start3A_478 = tpu.memref_squeeze %dma_start3A_477 : memref<1x8x512xf32, #tpu.memory_space<hbm>> -> memref<8x512xf32, #tpu.memory_space<hbm>>
        tpu.enqueue_dma source(%dma_start3A_478 : memref<8x512xf32, #tpu.memory_space<hbm>>) target(%dma_start3A_475 : memref<8x512xf32, #tpu.memory_space<vmem>>) target_semaphore(%arg12 : memref<!tpu.dma_semaphore, #tpu.memory_space<semaphore_mem>>)
        %mul3A_479 = arith.constant 2 : i32
        %mul3A_480 = arith.muli %mul3A_479, %add3A_30 : i32
        %add3A_481 = arith.constant 1 : i32
        %add3A_482 = arith.addi %mul3A_480, %add3A_481 : i32
        %dma_start3A_483 = arith.constant 0 : i32
        %dma_start3A_484 = arith.constant 0 : i32
        %dma_start3A_485 = arith.constant 0 : i32
        %dma_start3A_486 = tpu.memref_slice %arg8[%dma_start3A_483, %dma_start3A_484, %dma_start3A_485] : memref<2x8x512xf32, #tpu.memory_space<vmem>> -> memref<1x8x512xf32, #tpu.memory_space<vmem>>
        %dma_start3A_487 = tpu.memref_squeeze %dma_start3A_486 : memref<1x8x512xf32, #tpu.memory_space<vmem>> -> memref<8x512xf32, #tpu.memory_space<vmem>>
        %dma_start3A_488 = arith.constant 0 : i32
        %dma_start3A_489 = tpu.memref_slice %arg3[%add3A_482, %add3A_446, %dma_start3A_488] : memref<16x512x512xf32, #tpu.memory_space<hbm>> -> memref<1x8x512xf32, #tpu.memory_space<hbm>>
        %dma_start3A_490 = tpu.memref_squeeze %dma_start3A_489 : memref<1x8x512xf32, #tpu.memory_space<hbm>> -> memref<8x512xf32, #tpu.memory_space<hbm>>
        %dma_start3A_491 = arith.constant 0 : i32
        %dma_start3A_492 = arith.constant 0 : i32
        %dma_start3A_493 = tpu.memref_slice %arg8[%dma_start3A_483, %dma_start3A_491, %dma_start3A_492] : memref<2x8x512xf32, #tpu.memory_space<vmem>> -> memref<1x8x512xf32, #tpu.memory_space<vmem>>
        %dma_start3A_494 = tpu.memref_squeeze %dma_start3A_493 : memref<1x8x512xf32, #tpu.memory_space<vmem>> -> memref<8x512xf32, #tpu.memory_space<vmem>>
        %dma_start3A_495 = arith.constant 0 : i32
        %dma_start3A_496 = tpu.memref_slice %arg3[%add3A_482, %add3A_446, %dma_start3A_495] : memref<16x512x512xf32, #tpu.memory_space<hbm>> -> memref<1x8x512xf32, #tpu.memory_space<hbm>>
        %dma_start3A_497 = tpu.memref_squeeze %dma_start3A_496 : memref<1x8x512xf32, #tpu.memory_space<hbm>> -> memref<8x512xf32, #tpu.memory_space<hbm>>
        tpu.enqueue_dma source(%dma_start3A_497 : memref<8x512xf32, #tpu.memory_space<hbm>>) target(%dma_start3A_494 : memref<8x512xf32, #tpu.memory_space<vmem>>) target_semaphore(%arg12 : memref<!tpu.dma_semaphore, #tpu.memory_space<semaphore_mem>>)
      } else {
      }
      %mul3A_364 = arith.constant 8 : i32
      %mul3A_365 = arith.muli %add3A_356, %mul3A_364 : i32
      %add3A_366 = arith.addi %mul3A_41, %mul3A_365 : i32
      %dma_wait3A_367 = arith.constant 1 : i32
      %dma_wait3A_368 = arith.constant 0 : i32
      %dma_wait3A_369 = arith.constant 0 : i32
      %dma_wait3A_370 = tpu.memref_slice %arg6[%dma_wait3A_367, %dma_wait3A_368, %dma_wait3A_369] : memref<2x8x512xf32, #tpu.memory_space<vmem>> -> memref<1x8x512xf32, #tpu.memory_space<vmem>>
      %dma_wait3A_371 = tpu.memref_squeeze %dma_wait3A_370 : memref<1x8x512xf32, #tpu.memory_space<vmem>> -> memref<8x512xf32, #tpu.memory_space<vmem>>
      %dma_wait3A_372 = arith.constant 0 : i32
      %dma_wait3A_373 = tpu.memref_slice %arg2[%add3A_30, %add3A_366, %dma_wait3A_372] : memref<8x512x512xf32, #tpu.memory_space<hbm>> -> memref<1x8x512xf32, #tpu.memory_space<hbm>>
      %dma_wait3A_374 = tpu.memref_squeeze %dma_wait3A_373 : memref<1x8x512xf32, #tpu.memory_space<hbm>> -> memref<8x512xf32, #tpu.memory_space<hbm>>
      %dma_wait3A_375 = arith.constant 0 : i32
      %dma_wait3A_376 = arith.constant 0 : i32
      %dma_wait3A_377 = tpu.memref_slice %arg6[%dma_wait3A_367, %dma_wait3A_375, %dma_wait3A_376] : memref<2x8x512xf32, #tpu.memory_space<vmem>> -> memref<1x8x512xf32, #tpu.memory_space<vmem>>
      %dma_wait3A_378 = tpu.memref_squeeze %dma_wait3A_377 : memref<1x8x512xf32, #tpu.memory_space<vmem>> -> memref<8x512xf32, #tpu.memory_space<vmem>>
      %dma_wait3A_379 = arith.constant 0 : i32
      %dma_wait3A_380 = tpu.memref_slice %arg2[%add3A_30, %add3A_366, %dma_wait3A_379] : memref<8x512x512xf32, #tpu.memory_space<hbm>> -> memref<1x8x512xf32, #tpu.memory_space<hbm>>
      %dma_wait3A_381 = tpu.memref_squeeze %dma_wait3A_380 : memref<1x8x512xf32, #tpu.memory_space<hbm>> -> memref<8x512xf32, #tpu.memory_space<hbm>>
      tpu.wait_dma2 semaphore(%arg12 : memref<!tpu.dma_semaphore, #tpu.memory_space<semaphore_mem>>) src(%dma_wait3A_381 : memref<8x512xf32, #tpu.memory_space<hbm>>) dst(%dma_wait3A_378 : memref<8x512xf32, #tpu.memory_space<vmem>>)
      %mul3A_382 = arith.constant 2 : i32
      %mul3A_383 = arith.muli %mul3A_382, %add3A_30 : i32
      %dma_wait3A_384 = arith.constant 1 : i32
      %dma_wait3A_385 = arith.constant 0 : i32
      %dma_wait3A_386 = arith.constant 0 : i32
      %dma_wait3A_387 = tpu.memref_slice %arg7[%dma_wait3A_384, %dma_wait3A_385, %dma_wait3A_386] : memref<2x8x512xf32, #tpu.memory_space<vmem>> -> memref<1x8x512xf32, #tpu.memory_space<vmem>>
      %dma_wait3A_388 = tpu.memref_squeeze %dma_wait3A_387 : memref<1x8x512xf32, #tpu.memory_space<vmem>> -> memref<8x512xf32, #tpu.memory_space<vmem>>
      %dma_wait3A_389 = arith.constant 0 : i32
      %dma_wait3A_390 = tpu.memref_slice %arg3[%mul3A_383, %add3A_366, %dma_wait3A_389] : memref<16x512x512xf32, #tpu.memory_space<hbm>> -> memref<1x8x512xf32, #tpu.memory_space<hbm>>
      %dma_wait3A_391 = tpu.memref_squeeze %dma_wait3A_390 : memref<1x8x512xf32, #tpu.memory_space<hbm>> -> memref<8x512xf32, #tpu.memory_space<hbm>>
      %dma_wait3A_392 = arith.constant 0 : i32
      %dma_wait3A_393 = arith.constant 0 : i32
      %dma_wait3A_394 = tpu.memref_slice %arg7[%dma_wait3A_384, %dma_wait3A_392, %dma_wait3A_393] : memref<2x8x512xf32, #tpu.memory_space<vmem>> -> memref<1x8x512xf32, #tpu.memory_space<vmem>>
      %dma_wait3A_395 = tpu.memref_squeeze %dma_wait3A_394 : memref<1x8x512xf32, #tpu.memory_space<vmem>> -> memref<8x512xf32, #tpu.memory_space<vmem>>
      %dma_wait3A_396 = arith.constant 0 : i32
      %dma_wait3A_397 = tpu.memref_slice %arg3[%mul3A_383, %add3A_366, %dma_wait3A_396] : memref<16x512x512xf32, #tpu.memory_space<hbm>> -> memref<1x8x512xf32, #tpu.memory_space<hbm>>
      %dma_wait3A_398 = tpu.memref_squeeze %dma_wait3A_397 : memref<1x8x512xf32, #tpu.memory_space<hbm>> -> memref<8x512xf32, #tpu.memory_space<hbm>>
      tpu.wait_dma2 semaphore(%arg12 : memref<!tpu.dma_semaphore, #tpu.memory_space<semaphore_mem>>) src(%dma_wait3A_398 : memref<8x512xf32, #tpu.memory_space<hbm>>) dst(%dma_wait3A_395 : memref<8x512xf32, #tpu.memory_space<vmem>>)
      %mul3A_399 = arith.constant 2 : i32
      %mul3A_400 = arith.muli %mul3A_399, %add3A_30 : i32
      %add3A_401 = arith.constant 1 : i32
      %add3A_402 = arith.addi %mul3A_400, %add3A_401 : i32
      %dma_wait3A_403 = arith.constant 1 : i32
      %dma_wait3A_404 = arith.constant 0 : i32
      %dma_wait3A_405 = arith.constant 0 : i32
      %dma_wait3A_406 = tpu.memref_slice %arg8[%dma_wait3A_403, %dma_wait3A_404, %dma_wait3A_405] : memref<2x8x512xf32, #tpu.memory_space<vmem>> -> memref<1x8x512xf32, #tpu.memory_space<vmem>>
      %dma_wait3A_407 = tpu.memref_squeeze %dma_wait3A_406 : memref<1x8x512xf32, #tpu.memory_space<vmem>> -> memref<8x512xf32, #tpu.memory_space<vmem>>
      %dma_wait3A_408 = arith.constant 0 : i32
      %dma_wait3A_409 = tpu.memref_slice %arg3[%add3A_402, %add3A_366, %dma_wait3A_408] : memref<16x512x512xf32, #tpu.memory_space<hbm>> -> memref<1x8x512xf32, #tpu.memory_space<hbm>>
      %dma_wait3A_410 = tpu.memref_squeeze %dma_wait3A_409 : memref<1x8x512xf32, #tpu.memory_space<hbm>> -> memref<8x512xf32, #tpu.memory_space<hbm>>
      %dma_wait3A_411 = arith.constant 0 : i32
      %dma_wait3A_412 = arith.constant 0 : i32
      %dma_wait3A_413 = tpu.memref_slice %arg8[%dma_wait3A_403, %dma_wait3A_411, %dma_wait3A_412] : memref<2x8x512xf32, #tpu.memory_space<vmem>> -> memref<1x8x512xf32, #tpu.memory_space<vmem>>
      %dma_wait3A_414 = tpu.memref_squeeze %dma_wait3A_413 : memref<1x8x512xf32, #tpu.memory_space<vmem>> -> memref<8x512xf32, #tpu.memory_space<vmem>>
      %dma_wait3A_415 = arith.constant 0 : i32
      %dma_wait3A_416 = tpu.memref_slice %arg3[%add3A_402, %add3A_366, %dma_wait3A_415] : memref<16x512x512xf32, #tpu.memory_space<hbm>> -> memref<1x8x512xf32, #tpu.memory_space<hbm>>
      %dma_wait3A_417 = tpu.memref_squeeze %dma_wait3A_416 : memref<1x8x512xf32, #tpu.memory_space<hbm>> -> memref<8x512xf32, #tpu.memory_space<hbm>>
      tpu.wait_dma2 semaphore(%arg12 : memref<!tpu.dma_semaphore, #tpu.memory_space<semaphore_mem>>) src(%dma_wait3A_417 : memref<8x512xf32, #tpu.memory_space<hbm>>) dst(%dma_wait3A_414 : memref<8x512xf32, #tpu.memory_space<vmem>>)
      %ge3A_418 = arith.constant 2 : i32
      %ge3A_419 = arith.cmpi sge, %add3A_356, %ge3A_418 : i32
      %convert_element_type3A_420 = arith.extui %ge3A_419 : i1 to i32
      %cond3A_421 = arith.constant 0 : i32
      %cond3A_422 = arith.cmpi ne, %convert_element_type3A_420, %cond3A_421 : i32
      scf.if %cond3A_422 {
        %dma_wait3A_442 = arith.constant 1 : i32
        %dma_wait3A_443 = arith.constant 0 : i32
        %dma_wait3A_444 = arith.constant 1 : i32
        %dma_wait3A_445 = arith.constant 0 : i32
        %dma_wait3A_446 = arith.constant 0 : i32
        %dma_wait3A_447 = tpu.memref_slice %arg10[%dma_wait3A_442, %dma_wait3A_443, %dma_wait3A_446] : memref<2x1x4096xf32, #tpu.memory_space<vmem>> -> memref<1x1x4096xf32, #tpu.memory_space<vmem>>
        %dma_wait3A_448 = tpu.memref_squeeze %dma_wait3A_447 : memref<1x1x4096xf32, #tpu.memory_space<vmem>> -> memref<4096xf32, #tpu.memory_space<vmem>>
        %dma_wait3A_449 = arith.constant 0 : i32
        %dma_wait3A_450 = tpu.memref_slice %arg9[%dma_wait3A_444, %dma_wait3A_445, %dma_wait3A_449] : memref<2x1x4096xi32, #tpu.memory_space<vmem>> -> memref<1x1x4096xi32, #tpu.memory_space<vmem>>
        %dma_wait3A_451 = tpu.memref_squeeze %dma_wait3A_450 : memref<1x1x4096xi32, #tpu.memory_space<vmem>> -> memref<4096xi32, #tpu.memory_space<vmem>>
        %dma_wait3A_452 = arith.constant 0 : i32
        %dma_wait3A_453 = tpu.memref_slice %arg5[%dma_wait3A_452] : memref<1048576xf32, #tpu.memory_space<vmem_shared>> -> memref<1048576xf32, #tpu.memory_space<vmem_shared>>
        tpu.wait_indirect_dma semaphore(%arg13 : memref<!tpu.dma_semaphore, #tpu.memory_space<semaphore_mem>>) src(%dma_wait3A_448 : memref<4096xf32, #tpu.memory_space<vmem>>) dst(%dma_wait3A_453 : memref<1048576xf32, #tpu.memory_space<vmem_shared>>)
      } else {
      }
      %mul3A_423 = arith.constant 8 : i32
      %mul3A_424 = arith.muli %add3A_356, %mul3A_423 : i32
      %add3A_425 = arith.addi %mul3A_41, %mul3A_424 : i32
      %parallel_loop3A_426 = arith.constant 0 : i32
      %parallel_loop3A_427 = arith.constant 256 : i32
      %parallel_loop3A_428 = arith.constant 1 : i32
      scf.for %parallel_loop3A_442 = %parallel_loop3A_426 to %parallel_loop3A_427 step %parallel_loop3A_428  : i32 {
        %parallel_loop3A_443 = arith.constant 5 : i32
        %parallel_loop3A_444 = arith.shrsi %parallel_loop3A_442, %parallel_loop3A_443 : i32
        %parallel_loop3A_445 = arith.constant 31 : i32
        %parallel_loop3A_446 = arith.andi %parallel_loop3A_442, %parallel_loop3A_445 : i32
        %parallel_loop3A_447 = arith.constant 16 : i32
        %parallel_loop3A_448 = arith.muli %parallel_loop3A_446, %parallel_loop3A_447 : i32
        %parallel_loop3A_449 = arith.addi %add3A_425, %parallel_loop3A_444 : i32
        %parallel_loop3A_450 = arith.constant 1 : i32
        %parallel_loop3A_451 = arith.index_cast %parallel_loop3A_450 : i32 to index
        %parallel_loop3A_452 = arith.index_cast %parallel_loop3A_444 : i32 to index
        %parallel_loop3A_453 = arith.index_cast %parallel_loop3A_448 : i32 to index
        %parallel_loop3A_454 = tpu.vector_load %arg7[%parallel_loop3A_451, %parallel_loop3A_452, %parallel_loop3A_453] {strides = array<i32>} : memref<2x8x512xf32, #tpu.memory_space<vmem>>, vector<1x1x16xf32>,
        %parallel_loop3A_455 = vector.shape_cast %parallel_loop3A_454 : vector<1x1x16xf32> to vector<16xf32>
        %parallel_loop3A_456 = arith.constant 1 : i32
        %parallel_loop3A_457 = arith.index_cast %parallel_loop3A_456 : i32 to index
        %parallel_loop3A_458 = arith.index_cast %parallel_loop3A_444 : i32 to index
        %parallel_loop3A_459 = arith.index_cast %parallel_loop3A_448 : i32 to index
        %parallel_loop3A_460 = tpu.vector_load %arg8[%parallel_loop3A_457, %parallel_loop3A_458, %parallel_loop3A_459] {strides = array<i32>} : memref<2x8x512xf32, #tpu.memory_space<vmem>>, vector<1x1x16xf32>,
        %parallel_loop3A_461 = vector.shape_cast %parallel_loop3A_460 : vector<1x1x16xf32> to vector<16xf32>
        %parallel_loop3A_462 = arith.constant 1 : i32
        %parallel_loop3A_463 = arith.index_cast %parallel_loop3A_462 : i32 to index
        %parallel_loop3A_464 = arith.index_cast %parallel_loop3A_444 : i32 to index
        %parallel_loop3A_465 = arith.index_cast %parallel_loop3A_448 : i32 to index
        %parallel_loop3A_466 = tpu.vector_load %arg6[%parallel_loop3A_463, %parallel_loop3A_464, %parallel_loop3A_465] {strides = array<i32>} : memref<2x8x512xf32, #tpu.memory_space<vmem>>, vector<1x1x16xf32>,
        %parallel_loop3A_467 = vector.shape_cast %parallel_loop3A_466 : vector<1x1x16xf32> to vector<16xf32>
        %parallel_loop3A_468 = arith.sitofp %parallel_loop3A_448 : i32 to f32
        %parallel_loop3A_469 = vector.broadcast %parallel_loop3A_468 : f32 to vector<16xf32>
        %parallel_loop3A_470 = arith.addf %parallel_loop3A_469, %convert_element_type3A : vector<16xf32>
        %parallel_loop3A_471 = arith.sitofp %parallel_loop3A_449 : i32 to f32
        %parallel_loop3A_472 = vector.broadcast %parallel_loop3A_471 : f32 to vector<16xf32>
        %parallel_loop3A_473 = arith.constant 1.500000e+01 : f32
        %parallel_loop3A_474 = vector.broadcast %parallel_loop3A_473 : f32 to vector<16xf32>
        %parallel_loop3A_475 = arith.mulf %parallel_loop3A_474, %parallel_loop3A_455 : vector<16xf32>
        %parallel_loop3A_476 = arith.addf %parallel_loop3A_470, %parallel_loop3A_475 : vector<16xf32>
        %parallel_loop3A_477 = arith.constant 0x4B400000 : f32
        %parallel_loop3A_478 = vector.broadcast %parallel_loop3A_477 : f32 to vector<16xf32>
        %parallel_loop3A_479 = arith.addf %parallel_loop3A_476, %parallel_loop3A_478 : vector<16xf32>
        %parallel_loop3A_480 = tpu.bitcast %parallel_loop3A_479 : vector<16xf32> -> vector<16xi32>
        %parallel_loop3A_481 = arith.constant 1262485504 : i32
        %parallel_loop3A_482 = vector.broadcast %parallel_loop3A_481 : i32 to vector<16xi32>
        %parallel_loop3A_483 = arith.subi %parallel_loop3A_480, %parallel_loop3A_482 : vector<16xi32>
        %parallel_loop3A_484 = arith.constant 1.500000e+01 : f32
        %parallel_loop3A_485 = vector.broadcast %parallel_loop3A_484 : f32 to vector<16xf32>
        %parallel_loop3A_486 = arith.mulf %parallel_loop3A_485, %parallel_loop3A_461 : vector<16xf32>
        %parallel_loop3A_487 = arith.addf %parallel_loop3A_472, %parallel_loop3A_486 : vector<16xf32>
        %parallel_loop3A_488 = arith.constant 0x4B400000 : f32
        %parallel_loop3A_489 = vector.broadcast %parallel_loop3A_488 : f32 to vector<16xf32>
        %parallel_loop3A_490 = arith.addf %parallel_loop3A_487, %parallel_loop3A_489 : vector<16xf32>
        %parallel_loop3A_491 = tpu.bitcast %parallel_loop3A_490 : vector<16xf32> -> vector<16xi32>
        %parallel_loop3A_492 = arith.constant 1262485504 : i32
        %parallel_loop3A_493 = vector.broadcast %parallel_loop3A_492 : i32 to vector<16xi32>
        %parallel_loop3A_494 = arith.subi %parallel_loop3A_491, %parallel_loop3A_493 : vector<16xi32>
        %parallel_loop3A_495 = arith.ori %parallel_loop3A_483, %parallel_loop3A_494 : vector<16xi32>
        %parallel_loop3A_496 = arith.constant -512 : i32
        %parallel_loop3A_497 = vector.broadcast %parallel_loop3A_496 : i32 to vector<16xi32>
        %parallel_loop3A_498 = arith.andi %parallel_loop3A_495, %parallel_loop3A_497 : vector<16xi32>
        %parallel_loop3A_499 = arith.constant 0 : i32
        %parallel_loop3A_500 = vector.broadcast %parallel_loop3A_499 : i32 to vector<16xi32>
        %parallel_loop3A_501 = arith.cmpi eq, %parallel_loop3A_498, %parallel_loop3A_500 : vector<16xi32>
        %parallel_loop3A_502 = arith.constant 1.000000e-01 : f32
        %parallel_loop3A_503 = vector.broadcast %parallel_loop3A_502 : f32 to vector<16xf32>
        %parallel_loop3A_504 = arith.cmpf ogt, %parallel_loop3A_467, %parallel_loop3A_503 : vector<16xf32>
        %parallel_loop3A_505 = arith.andi %parallel_loop3A_504, %parallel_loop3A_501 : vector<16xi1>
        %parallel_loop3A_506 = arith.constant 0.000000e+00 : f32
        %parallel_loop3A_507 = vector.broadcast %parallel_loop3A_506 : f32 to vector<16xf32>
        %parallel_loop3A_508 = arith.select %parallel_loop3A_505, %parallel_loop3A_467, %parallel_loop3A_507 : vector<16xi1>, vector<16xf32>
        %parallel_loop3A_509 = arith.constant 512 : i32
        %parallel_loop3A_510 = vector.broadcast %parallel_loop3A_509 : i32 to vector<16xi32>
        %parallel_loop3A_511 = arith.muli %parallel_loop3A_494, %parallel_loop3A_510 : vector<16xi32>
        %parallel_loop3A_512 = arith.addi %parallel_loop3A_511, %parallel_loop3A_483 : vector<16xi32>
        %parallel_loop3A_513 = arith.constant 0 : i32
        %parallel_loop3A_514 = vector.broadcast %parallel_loop3A_513 : i32 to vector<16xi32>
        %parallel_loop3A_515 = arith.maxsi %parallel_loop3A_512, %parallel_loop3A_514 : vector<16xi32>
        %parallel_loop3A_516 = arith.constant 262143 : i32
        %parallel_loop3A_517 = vector.broadcast %parallel_loop3A_516 : i32 to vector<16xi32>
        %parallel_loop3A_518 = arith.minsi %parallel_loop3A_515, %parallel_loop3A_517 : vector<16xi32>
        %parallel_loop3A_519 = arith.addi %mul3A_37, %parallel_loop3A_518 : vector<16xi32>
        %parallel_loop3A_520 = arith.constant 16 : i32
        %parallel_loop3A_521 = arith.muli %parallel_loop3A_442, %parallel_loop3A_520 : i32
        %parallel_loop3A_522 = arith.constant 1 : i32
        %parallel_loop3A_523 = arith.constant 0 : i32
        %parallel_loop3A_524 = arith.index_cast %parallel_loop3A_522 : i32 to index
        %parallel_loop3A_525 = arith.index_cast %parallel_loop3A_523 : i32 to index
        %parallel_loop3A_526 = arith.index_cast %parallel_loop3A_521 : i32 to index
        %parallel_loop3A_527 = tpu.vector_load %arg9[%parallel_loop3A_524, %parallel_loop3A_525, %parallel_loop3A_526] {strides = array<i32>} : memref<2x1x4096xi32, #tpu.memory_space<vmem>>, vector<1x1x16xi32>,
        %parallel_loop3A_528 = vector.shape_cast %parallel_loop3A_527 : vector<1x1x16xi32> to vector<16xi32>
        %parallel_loop3A_529 = vector.shape_cast %parallel_loop3A_519 : vector<16xi32> to vector<1x1x16xi32>
        tpu.vector_store %arg9[%parallel_loop3A_524, %parallel_loop3A_525, %parallel_loop3A_526], %parallel_loop3A_529 {strides = array<i32>} : memref<2x1x4096xi32, #tpu.memory_space<vmem>>, vector<1x1x16xi32>,
        %parallel_loop3A_530 = arith.constant 16 : i32
        %parallel_loop3A_531 = arith.muli %parallel_loop3A_442, %parallel_loop3A_530 : i32
        %parallel_loop3A_532 = arith.constant 1 : i32
        %parallel_loop3A_533 = arith.constant 0 : i32
        %parallel_loop3A_534 = arith.index_cast %parallel_loop3A_532 : i32 to index
        %parallel_loop3A_535 = arith.index_cast %parallel_loop3A_533 : i32 to index
        %parallel_loop3A_536 = arith.index_cast %parallel_loop3A_531 : i32 to index
        %parallel_loop3A_537 = tpu.vector_load %arg10[%parallel_loop3A_534, %parallel_loop3A_535, %parallel_loop3A_536] {strides = array<i32>} : memref<2x1x4096xf32, #tpu.memory_space<vmem>>, vector<1x1x16xf32>,
        %parallel_loop3A_538 = vector.shape_cast %parallel_loop3A_537 : vector<1x1x16xf32> to vector<16xf32>
        %parallel_loop3A_539 = vector.shape_cast %parallel_loop3A_508 : vector<16xf32> to vector<1x1x16xf32>
        tpu.vector_store %arg10[%parallel_loop3A_534, %parallel_loop3A_535, %parallel_loop3A_536], %parallel_loop3A_539 {strides = array<i32>} : memref<2x1x4096xf32, #tpu.memory_space<vmem>>, vector<1x1x16xf32>,
      } {sc.loop_unroll_factor = 8 : i64, sc.parallel_access}
      %dma_start3A_429 = arith.constant 1 : i32
      %dma_start3A_430 = arith.constant 0 : i32
      %dma_start3A_431 = arith.constant 1 : i32
      %dma_start3A_432 = arith.constant 0 : i32
      %dma_start3A_433 = arith.constant 0 : i32
      %dma_start3A_434 = tpu.memref_slice %arg10[%dma_start3A_429, %dma_start3A_430, %dma_start3A_433] : memref<2x1x4096xf32, #tpu.memory_space<vmem>> -> memref<1x1x4096xf32, #tpu.memory_space<vmem>>
      %dma_start3A_435 = tpu.memref_squeeze %dma_start3A_434 : memref<1x1x4096xf32, #tpu.memory_space<vmem>> -> memref<4096xf32, #tpu.memory_space<vmem>>
      %dma_start3A_436 = arith.constant 0 : i32
      %dma_start3A_437 = tpu.memref_slice %arg9[%dma_start3A_431, %dma_start3A_432, %dma_start3A_436] : memref<2x1x4096xi32, #tpu.memory_space<vmem>> -> memref<1x1x4096xi32, #tpu.memory_space<vmem>>
      %dma_start3A_438 = tpu.memref_squeeze %dma_start3A_437 : memref<1x1x4096xi32, #tpu.memory_space<vmem>> -> memref<4096xi32, #tpu.memory_space<vmem>>
      %dma_start3A_439 = arith.constant 0 : i32
      %dma_start3A_440 = tpu.memref_slice %arg5[%dma_start3A_439] : memref<1048576xf32, #tpu.memory_space<vmem_shared>> -> memref<1048576xf32, #tpu.memory_space<vmem_shared>>
      tpu.enqueue_indirect_dma source(%dma_start3A_435 : memref<4096xf32, #tpu.memory_space<vmem>>) target(%dma_start3A_440 : memref<1048576xf32, #tpu.memory_space<vmem_shared>>) offsets(%dma_start3A_438 : memref<4096xi32, #tpu.memory_space<vmem>>) semaphore(%arg13 : memref<!tpu.dma_semaphore, #tpu.memory_space<semaphore_mem>>) {add = true}
      %scan3A_441 = arith.constant 0 : i32
      scf.yield %scan3A_441 : i32
    }
    %scan3A_233 = arith.constant 8 : i32
    %dma_wait3A_234 = arith.constant 0 : i32
    %dma_wait3A_235 = arith.constant 0 : i32
    %dma_wait3A_236 = arith.constant 0 : i32
    %dma_wait3A_237 = arith.constant 0 : i32
    %dma_wait3A_238 = arith.constant 0 : i32
    %dma_wait3A_239 = tpu.memref_slice %arg10[%dma_wait3A_234, %dma_wait3A_235, %dma_wait3A_238] : memref<2x1x4096xf32, #tpu.memory_space<vmem>> -> memref<1x1x4096xf32, #tpu.memory_space<vmem>>
    %dma_wait3A_240 = tpu.memref_squeeze %dma_wait3A_239 : memref<1x1x4096xf32, #tpu.memory_space<vmem>> -> memref<4096xf32, #tpu.memory_space<vmem>>
    %dma_wait3A_241 = arith.constant 0 : i32
    %dma_wait3A_242 = tpu.memref_slice %arg9[%dma_wait3A_236, %dma_wait3A_237, %dma_wait3A_241] : memref<2x1x4096xi32, #tpu.memory_space<vmem>> -> memref<1x1x4096xi32, #tpu.memory_space<vmem>>
    %dma_wait3A_243 = tpu.memref_squeeze %dma_wait3A_242 : memref<1x1x4096xi32, #tpu.memory_space<vmem>> -> memref<4096xi32, #tpu.memory_space<vmem>>
    %dma_wait3A_244 = arith.constant 0 : i32
    %dma_wait3A_245 = tpu.memref_slice %arg5[%dma_wait3A_244] : memref<1048576xf32, #tpu.memory_space<vmem_shared>> -> memref<1048576xf32, #tpu.memory_space<vmem_shared>>
    tpu.wait_indirect_dma semaphore(%arg13 : memref<!tpu.dma_semaphore, #tpu.memory_space<semaphore_mem>>) src(%dma_wait3A_240 : memref<4096xf32, #tpu.memory_space<vmem>>) dst(%dma_wait3A_245 : memref<1048576xf32, #tpu.memory_space<vmem_shared>>)
    %dma_wait3A_246 = arith.constant 1 : i32
    %dma_wait3A_247 = arith.constant 0 : i32
    %dma_wait3A_248 = arith.constant 1 : i32
    %dma_wait3A_249 = arith.constant 0 : i32
    %dma_wait3A_250 = arith.constant 0 : i32
    %dma_wait3A_251 = tpu.memref_slice %arg10[%dma_wait3A_246, %dma_wait3A_247, %dma_wait3A_250] : memref<2x1x4096xf32, #tpu.memory_space<vmem>> -> memref<1x1x4096xf32, #tpu.memory_space<vmem>>
    %dma_wait3A_252 = tpu.memref_squeeze %dma_wait3A_251 : memref<1x1x4096xf32, #tpu.memory_space<vmem>> -> memref<4096xf32, #tpu.memory_space<vmem>>
    %dma_wait3A_253 = arith.constant 0 : i32
    %dma_wait3A_254 = tpu.memref_slice %arg9[%dma_wait3A_248, %dma_wait3A_249, %dma_wait3A_253] : memref<2x1x4096xi32, #tpu.memory_space<vmem>> -> memref<1x1x4096xi32, #tpu.memory_space<vmem>>
    %dma_wait3A_255 = tpu.memref_squeeze %dma_wait3A_254 : memref<1x1x4096xi32, #tpu.memory_space<vmem>> -> memref<4096xi32, #tpu.memory_space<vmem>>
    %dma_wait3A_256 = arith.constant 0 : i32
    %dma_wait3A_257 = tpu.memref_slice %arg5[%dma_wait3A_256] : memref<1048576xf32, #tpu.memory_space<vmem_shared>> -> memref<1048576xf32, #tpu.memory_space<vmem_shared>>
    tpu.wait_indirect_dma semaphore(%arg13 : memref<!tpu.dma_semaphore, #tpu.memory_space<semaphore_mem>>) src(%dma_wait3A_252 : memref<4096xf32, #tpu.memory_space<vmem>>) dst(%dma_wait3A_257 : memref<1048576xf32, #tpu.memory_space<vmem_shared>>)
    %barrier3A_258 = arith.constant 0 : index
    tpu.barrier barrier_id(%barrier3A_258)
    %mul3A_259 = arith.constant 1048576 : i32
    %mul3A_260 = arith.muli %arg0, %mul3A_259 : i32
    %mul3A_261 = arith.constant 65536 : i32
    %mul3A_262 = arith.muli %arg1, %mul3A_261 : i32
    %add3A_263 = arith.addi %mul3A_260, %mul3A_262 : i32
    %mul3A_264 = arith.constant 65536 : i32
    %mul3A_265 = arith.muli %arg1, %mul3A_264 : i32
    "tpu.region"() ({
      %run_scoped3A = tpu.sem_alloc : memref<!tpu.dma_semaphore, #tpu.memory_space<semaphore_mem>>
      %dma_start3A_266 = tpu.memref_slice %arg4[%add3A_263] : memref<2097152xf32, #tpu.memory_space<hbm>> -> memref<65536xf32, #tpu.memory_space<hbm>>
      %dma_start3A_267 = tpu.memref_slice %arg5[%mul3A_265] : memref<1048576xf32, #tpu.memory_space<vmem_shared>> -> memref<65536xf32, #tpu.memory_space<vmem_shared>>
      tpu.enqueue_dma source(%dma_start3A_267 : memref<65536xf32, #tpu.memory_space<vmem_shared>>) target(%dma_start3A_266 : memref<65536xf32, #tpu.memory_space<hbm>>) target_semaphore(%run_scoped3A : memref<!tpu.dma_semaphore, #tpu.memory_space<semaphore_mem>>)
      %dma_wait3A_268 = tpu.memref_slice %arg4[%add3A_263] : memref<2097152xf32, #tpu.memory_space<hbm>> -> memref<65536xf32, #tpu.memory_space<hbm>>
      %dma_wait3A_269 = tpu.memref_slice %arg5[%mul3A_265] : memref<1048576xf32, #tpu.memory_space<vmem_shared>> -> memref<65536xf32, #tpu.memory_space<vmem_shared>>
      tpu.wait_dma2 semaphore(%run_scoped3A : memref<!tpu.dma_semaphore, #tpu.memory_space<semaphore_mem>>) src(%dma_wait3A_269 : memref<65536xf32, #tpu.memory_space<vmem_shared>>) dst(%dma_wait3A_268 : memref<65536xf32, #tpu.memory_space<hbm>>)
      tpu.yield
    }) : () -> ()
    return
  }
}

</mosaic_0001>

<sc_bundles>
// kernel: kernel.3.cloned.1.call-start
scs
__scs_entry_jumppad:
0x0: {  	(pc) =	sbr.rel $0x88, $3  }
0x1: {  	(tag) =	ssettag $0x0;
	lr =	simm.s32 $0x1  }
0x2: {  	[smem:$0x3F9F] =	sst lr;
	_ =	strace $0xD0000000  }
0x3: {  	_ = 	snop  }
0x4: {  	_ = 	snop  }
0x5: {  	_ = 	snop  }
0x6: {  	_ = 	snop  }
0x7: {  	_ = 	snop  }
__scs_overlays_trampoline_lowered:
0x8: {  	[smem:$0x3FAE] =	sst s0  }
0x9: {  	[smem:$0x3FAF] =	sst s1  }
0xa: {  	[smem:$0x3FB0] =	sst s2  }
0xb: {  	[smem:$0x3FB1] =	sst s3  }
0xc: {  	[smem:$0x3FB2] =	sst s4  }
0xd: {  	[smem:$0x3FB3] =	sst s5  }
0xe: {  	[smem:$0x3FB4] =	sst s6  }
0xf: {  	[smem:$0x3FB5] =	sst s7  }
0x10: {  	[smem:$0x3FB6] =	sst s8  }
0x11: {  	[smem:$0x3FB7] =	sst s9;
	s0 =	simm.s32 @!p0 $0x0  }
0x12: {  	s1 =	sld [smem:$0x3F9D];
	s0 =	simm.s32 @p0 $0x1  }
0x13: {  	[smem:$0x3FB8] =	sst s0;
	s0 =	simm.s32 @!p1 $0x0  }
0x14: {  	s2 =	sld [smem:$0x3F9C];
	s0 =	simm.s32 @p1 $0x1  }
0x15: {  	[smem:$0x3FB9] =	sst s0;
	s0 =	simm.s32 @!p2 $0x0  }
0x16: {  	s3 =	sld [smem:$0x3FDB];
	s0 =	simm.s32 @p2 $0x1  }
0x17: {  	s4 =	simm.s32 $0x1BF5;
	[smem:$0x3FBB] =	sst s0  }
0x18: {  	s0 =	sld [smem:$0x3F9E];
	_ =	swait.ge [sflag:s4], $0x0  }
0x19: {  	s7 =	sld [smem:$0x3F9F]  }
0x1a: {  	s8 =	sadd.s32 $0xFFFFE003, lr  }
0x1b: {  	s9 =	sadd.s32 $0xFFFFFEF7, lr;
	s5 =	simm.s32 $0xFFFFFFFF;
	p2 =	slt.u32 s8, $0xFFFFF086  }
0x1c: {  	p1 =	slt.u32 s9, $0xF7A;
	s5 =	simm.s32 @!p2 $0x0  }
0x1d: {  	s5 =	simm.s32 @p1 $0x1;
	p0 =	seq.s32 s7, s2  }
0x1e: {  	s7 =	smul.u32 @!p0 $0xF7A, s2;
	p2 =	seq.s32 @!p0 s5, $0x0  }
0x1f: {  	s9 =	smul.u32 $0xF7A, s1;
	s8 =	simm.s32 @!p0 $0x1BF5;
	p2 =	por !p2, p0  }
0x20: {  	[sflag:s8] =	ssyncset.s32 @!p0 $0xFFFFF086;
	s6 =	sadd.s32 @!p0 s3, s7;
	s7 =	simm.s32 @!p0 $0x108  }
0x21: {  	s3 =	sadd.s32 s3, s9;
	s6 =	sadd.s32 @!p0 $0x88, s6;
	s7 =	simm.s32 @p2 $0x1082  }
0x22: {  	[simem:s7], [sflag:s8] =	dma.local @!p0 [hbm:s6], $0xF7A  }
0x23: {  	s9 =	sor.u32 $0xD0000000, s2;
	s6 =	simm.s32 $0x108;
	_ =	swait.ge @!p0 [sflag:s8], $0x0  }
0x24: {  	s3 =	sadd.s32 $0x88, s3;
	s6 =	simm.s32 @!p1 $0x1082;
	[sflag:s4] =	ssyncset.s32 $0xFFFFF086  }
0x25: {  	[simem:s6], [sflag:s4] =	dma.local [hbm:s3], $0xF7A  }
0x26: {  	[smem:$0x3F9F] =	sst s1;
	(tag) =	ssettag s2;
	_ =	strace s9  }
0x27: {  	s1 =	sld [smem:$0x3FAF]  }
0x28: {  	s2 =	sld [smem:$0x3FB0]  }
0x29: {  	s4 =	sld [smem:$0x3FB2]  }
0x2a: {  	p0 =	seq.s32 s5, $0x0;
	s5 =	sld [smem:$0x3FB3]  }
0x2b: {  	s6 =	sld [smem:$0x3FB4]  }
0x2c: {  	s7 =	sld [smem:$0x3FB5]  }
0x2d: {  	s3 =	simm.s32 $0x108;
	s8 =	sld [smem:$0x3FB6]  }
0x2e: {  	s3 =	simm.s32 @!p0 $0x1082;
	s9 =	sld [smem:$0x3FB7]  }
0x2f: {  	lr =	sadd.s32 s0, s3;
	s0 =	sld [smem:$0x3FAE]  }
0x30: {  	s3 =	sld [smem:$0x3FB1]  }
0x31: {  	[smem:$0x3FBA] =	sst s10  }
0x32: {  	s10 =	sld [smem:$0x3FB8];
	_ =	sdelay $0x3  }
0x33: {  	p0 =	seq.s32 s10, $0x1;
	s10 =	sld [smem:$0x3FBA];
	_ =	sdelay $0x3  }
0x34: {  	[smem:$0x3FBA] =	sst s10  }
0x35: {  	s10 =	sld [smem:$0x3FB9];
	_ =	sdelay $0x3  }
0x36: {  	p1 =	seq.s32 s10, $0x1;
	s10 =	sld [smem:$0x3FBA];
	_ =	sdelay $0x3  }
0x37: {  	[smem:$0x3FBA] =	sst s10  }
0x38: {  	s10 =	sld [smem:$0x3FBB]  }
0x39: {  	_ = 	snop;
	(pc) =	sbr.ind lr, $3  }
0x3a: {  	_ = 	snop  }
0x3b: {  	_ = 	snop  }
0x3c: {  	p2 =	seq.s32 s10, $0x1;
	s10 =	sld [smem:$0x3FBA]  }
0x3d: {  	_ =	shalt  }
0x3e: {  	_ =	shalt  }
0x3f: {  	_ =	shalt  }
0x40: {  	_ =	shalt  }
0x41: {  	_ =	shalt  }
0x42: {  	_ =	shalt  }
0x43: {  	_ =	shalt  }
0x44: {  	_ =	shalt  }
0x45: {  	_ =	shalt  }
0x46: {  	_ =	shalt  }
0x47: {  	_ =	shalt  }
0x48: {  	_ =	shalt  }
0x49: {  	_ =	shalt  }
0x4a: {  	_ =	shalt  }
0x4b: {  	_ =	shalt  }
0x4c: {  	_ =	shalt  }
0x4d: {  	_ =	shalt  }
0x4e: {  	_ =	shalt  }
0x4f: {  	_ =	shalt  }
0x50: {  	_ =	shalt  }
0x51: {  	_ =	shalt  }
0x52: {  	_ =	shalt  }
0x53: {  	_ =	shalt  }
0x54: {  	_ =	shalt  }
0x55: {  	_ =	shalt  }
0x56: {  	_ =	shalt  }
0x57: {  	_ =	shalt  }
0x58: {  	_ =	shalt  }
0x59: {  	_ =	shalt  }
0x5a: {  	_ =	shalt  }
0x5b: {  	_ =	shalt  }
0x5c: {  	_ =	shalt  }
0x5d: {  	_ =	shalt  }
0x5e: {  	_ =	shalt  }
0x5f: {  	_ =	shalt  }
0x60: {  	_ =	shalt  }
0x61: {  	_ =	shalt  }
0x62: {  	_ =	shalt  }
0x63: {  	_ =	shalt  }
0x64: {  	_ =	shalt  }
0x65: {  	_ =	shalt  }
0x66: {  	_ =	shalt  }
0x67: {  	_ =	shalt  }
0x68: {  	_ =	shalt  }
0x69: {  	_ =	shalt  }
0x6a: {  	_ =	shalt  }
0x6b: {  	_ =	shalt  }
0x6c: {  	_ =	shalt  }
0x6d: {  	_ =	shalt  }
0x6e: {  	_ =	shalt  }
0x6f: {  	_ =	shalt  }
0x70: {  	_ =	shalt  }
0x71: {  	_ =	shalt  }
0x72: {  	_ =	shalt  }
0x73: {  	_ =	shalt  }
0x74: {  	_ =	shalt  }
0x75: {  	_ =	shalt  }
0x76: {  	_ =	shalt  }
0x77: {  	_ =	shalt  }
0x78: {  	_ =	shalt  }
0x79: {  	_ =	shalt  }
0x7a: {  	_ =	shalt  }
0x7b: {  	_ =	shalt  }
0x7c: {  	_ =	shalt  }
0x7d: {  	_ =	shalt  }
0x7e: {  	_ =	shalt  }
0x7f: {  	_ =	shalt  }
0x80: {  	_ =	shalt  }
0x81: {  	_ =	shalt  }
0x82: {  	_ =	shalt  }
0x83: {  	_ =	shalt  }
0x84: {  	_ =	shalt  }
0x85: {  	_ =	shalt  }
0x86: {  	_ =	shalt  }
0x87: {  	_ =	shalt  }
.Lfunc_end0:
.L_simem_size_0:
called_computation_lowered:
.L_overlay_start_0:
0x88: {  	s2 =	sld [smem:$0x3FD9]  }
0x89: {  	s3 =	sld [smem:$0x3FFE];
	_ =	sdelay $0x1  }
0x8a: {  	s1 =	srdreg.scid  }
0x8b: {  	s0 =	sand.u32 $0x1, s1  }
0x8c: {  	s17 =	sshll.u32 s0, $0xA;
	s2 =	sadd.s32 s3, s2  }
0x8d: {  	s2 =	sadd.s32 s2, s17  }
0x8e: {  	[smem:$0x3FC6] =	sst s2  }
0x8f: {  	_ = 	snop  }
0x90: {  	s2 =	sld [smem:$0x3FC9]  }
0x91: {  	s18 =	sld [smem:$0x3FC8];
	(tm) =	ssettm $0x1  }
0x92: {  	s4 =	sld [smem:$0x3FFB];
	_ =	sdelay $0x3  }
0x93: {  	_ =	strace s4  }
0x94: {  	s4 =	sld [smem:$0x3FFC];
	_ =	sdelay $0x3  }
0x95: {  	_ =	strace s4  }
0x96: {  	s4 =	sld [smem:$0x3FFD];
	_ =	sdelay $0x3  }
0x97: {  	_ =	strace s4  }
0x98: {  	_ =	strace $0x8FFFFFFF  }
0x99: {  	s19 =	sld [smem:$0x3FDB];
	_ =	sdelay $0x1  }
0x9a: {  	s5 =	simm.s32 $_scs_section_size  }
0x9b: {  	s6 =	simm.s32 $_size__tile_overlayer_lowered;
	s7 =	simm.s32 $_tile_overlayer_lowered  }
0x9c: {  	s22 =	simm.s32 $0x1BFF;
	s21 =	sshll.u32 s7, $0x1;
	s4 =	sadd.s32 s5, s19  }
0x9d: {  	s8 =	simm.s32 $0x0;
	s20 =	sshll.u32 s6, $0x1;
	s6 =	sadd.s32 s21, s4  }
0x9e: {  	[timem:s8], [sflag:s22] =	dma.local [hbm:s6], s20  }
0x9f: {  	_ =	swait.ge [sflag:s22], s20  }
0xa0: {  	s5 =	ssub.s32 $0x0, s20;
	[sflag:s22] =	ssyncset.done $0x0  }
0xa1: {  	[sflag:s22] =	ssyncadd.s32 s5;
	_ =	sdelay $0x1  }
0xa2: {  	s23 =	simm.s32 $0x1B8B  }
0xa3: {  	_ =	swait.ge [sflag:s23], $0x1  }
0xa4: {  	[sflag:s23] =	ssyncset.done $0x0  }
0xa5: {  	s25 =	simm.s32 $0x1B8E;
	s24 =	sld [smem:$0x3FFE];
	[sflag:s23] =	ssyncadd.s32 $0xFFFFFFFF  }
0xa6: {  	s26 =	simm.s32 $execute0_lowered;
	[smem:$0x3FD2] =	sst s25  }
0xa7: {  	s6 =	sshll.u32 s26, $0x1;
	_ =	strace $0x80000046;
	[dreg:$0x1] =	wrdreg $0xFFFFFFFF  }
0xa8: {  	s28 =	simm.s32 $_size_execute0_lowered;
	s4 =	sadd.s32 s4, s6;
	[dreg:$0x0] =	wrdreg $0x0  }
0xa9: {  	s6 =	sshll.u32 s28, $0x1;
	[dreg:$0x2] =	wrdreg s4  }
0xaa: {  	[dreg:$0x3] =	wrdreg s6  }
0xab: {  	[dreg:$0x4] =	wrdreg $0xC0  }
0xac: {  	_ =	task [dreg:s8], $0x5FFFF  }
0xad: {  	[dreg:$0x1] =	wrdreg $0xFFFFFFFF  }
0xae: {  	[dreg:$0x0] =	wrdreg $0x60  }
0xaf: {  	[dreg:$0x2] =	wrdreg s2  }
0xb0: {  	[dreg:$0x3] =	wrdreg s18  }
0xb1: {  	[dreg:$0x4] =	wrdreg s24  }
0xb2: {  	[dreg:$0x5] =	wrdreg $0x0  }
0xb3: {  	[dreg:$0x6] =	wrdreg $0x9  }
0xb4: {  	_ =	task.clear_ibuf [dreg:s8], $0x7FFFF;
	_ =	strace $0x90000046  }
0xb5: {  	s29 =	simm.s32 $0x9;
	_ =	strace $0x80000048  }
0xb6: {  	_ =	swait.ge [sflag:s29], $0x1  }
0xb7: {  	[sflag:s29] =	ssyncadd.s32 $0xFFFFFFFF  }
0xb8: {  	_ =	strace $0x90000048  }
0xb9: {  	_ =	sfence  }
0xba: {  	s30 =	sld [smem:$0x0];
	_ =	sdelay $0x2  }
0xbb: {  	s31 =	sshll.u32 s1, $0xD;
	s1 =	sshrl.u32 s1, $0x2  }
0xbc: {  	s3 =	sand.u32 $0x4000, s31;
	s1 =	sadd.s32 s1, s30  }
0xbd: {  	s0 =	sor.u32 s3, s0;
	s1 =	sshll.u32 s1, $0x11  }
0xbe: {  	s0 =	sor.u32 s1, s0  }
0xbf: {  	s0 =	sadd.s32 $0x8F2B, s0  }
0xc0: {  	[sflag:s0] =	ssyncadd.remote.s32 $0x1  }
0xc1: {  	_ =	sfence.sel $0xFFFF  }
0xc2: {  	[dreg:$0x0] =	wrdreg $0xFFFFFFFF;
	(pc) =	sbr.abs _section_cstart, $3  }
0xc3: {  	[dreg:$0x1] =	wrdreg $0xFFFFFFFF  }
0xc4: {  	_ =	task.clear_ibuf [dreg:s8], $0x2FFFF;
	_ =	strace $0x9FFFFFFF  }
0xc5: {  	(tm) =	ssettm $0x7FFFFFFF  }
tec
execute0_lowered:
.L_overlay_start_1:
0x0: {  	(tag) =	ssettag $0x1  }
0x1: {  	s1 =	rddreg [dreg:$0x0]  }
0x2: {  	s2 =	rddreg [dreg:$0x1]  }
0x3: {  	s0 =	srdreg.scid;
	s3 =	rddreg [dreg:$0x2]  }
0x4: {  	s7 =	stileid.u32;
	s4 =	rddreg [dreg:$0x3]  }
0x5: {  	s5 =	simm.s32 $0x0;
	s0 =	sand.u32 $0x1, s0;
	s11 =	sshll.u32 s7, $0x10  }
0x6: {  	[smem:$0x7FF] =	sst s5;
	s8 =	sshrl.u32 s7, $0x2;
	s9 =	sand.u32 $0x3, s7  }
0x7: {  	s6 =	sshll.u32 s0, $0x14;
	_ =	strace $0x80000047;
	s15 =	sadd.s32 s11, s4  }
0x8: {  	s6 =	sor.u32 s11, s6;
	s11 =	sadd.s32 $0x1000, s15;
	[dreg:$0x6] =	wrdreg s15  }
0x9: {  	s26 =	ssub.s32 $0x2, s0;
	s16 =	sadd.s32 $0x3000, s15;
	[dreg:$0x9] =	wrdreg s11  }
0xa: {  	s0 =	sshll.u32 s0, $0x2;
	s17 =	sadd.s32 $0x4000, s15;
	[dreg:$0xb] =	wrdreg s16  }
0xb: {  	s7 =	sshll.u32 s9, $0x10;
	s18 =	sadd.s32 $0x5000, s15;
	[dreg:$0xc] =	wrdreg s17  }
0xc: {  	s9 =	sshll.u32 s9, $0x7;
	s19 =	sadd.s32 $0x6000, s15;
	[dreg:$0xd] =	wrdreg s18  }
0xd: {  	s28 =	sshrl.u32 s26, $0x1;
	s20 =	sadd.s32 $0x7000, s15;
	[dreg:$0xe] =	wrdreg s19  }
0xe: {  	vm0 =	vcmask $0x300;
	v0 =	vimm.f32 $1.500000000e+01;
	s0 =	sor.u32 s8, s0;
	s21 =	sadd.s32 $0x8000, s15;
	[dreg:$0xf] =	wrdreg s20  }
0xf: {  	vm14 =	vcmask $0x704;
	v0 =	vsel vm0, $0x0, v0;
	s24 =	sadd.s32 $0x9000, s15;
	s25 =	sadd.s32 $0xA000, s15;
	[dreg:$0x10] =	wrdreg s21  }
0x10: {  	vm15 =	vcmask $0xB08;
	v0 =	vsel vm14, $0x3F800000, v0;
	s6 =	sshrl.u32 s6, $0x3;
	s13 =	ssub.s32 s26, s28;
	[dreg:$0x13] =	wrdreg s24  }
0x11: {  	vm4 =	vcmask $0xF0C;
	v0 =	vsel vm15, $0x40000000, v0;
	[dreg:$0x14] =	wrdreg s25;
	s26 =	sadd.s32 $0xB000, s15;
	s28 =	sadd.s32 $0xC000, s15  }
0x12: {  	vm5 =	vcmask $0x1310;
	v0 =	vsel vm4, $0x40400000, v0;
	s12 =	sadd.s32 s6, s3;
	s6 =	sshll.u32 s0, $0x12;
	s3 =	sshll.u32 s8, $0x12  }
0x13: {  	vm6 =	vcmask $0x1714;
	s8 =	sshll.u32 s0, $0x13;
	v0 =	vsel vm5, $0x40800000, v0;
	s23 =	smax.u32 s13, $0x1;
	[dreg:$0x15] =	wrdreg s26  }
0x14: {  	vm7 =	vcmask $0x1B18;
	[dreg:$0x16] =	wrdreg s28;
	s10 =	sor.u32 s7, s6;
	s30 =	sor.u32 s7, s8;
	v0 =	vsel vm6, $0x40A00000, v0  }
0x15: {  	vm8 =	vcmask $0x1F1C;
	s22 =	sadd.s32 $0x400, s12;
	[dreg:$0x12] =	wrdreg s23;
	s29 =	sshrl.u32 s10, $0x3;
	v0 =	vsel vm7, $0x40C00000, v0  }
0x16: {  	vm9 =	vcmask $0x2320;
	s10 =	sor.u32 $0x40000, s8;
	[dreg:$0x11] =	wrdreg s22;
	s0 =	sadd.s32 s1, s29;
	v0 =	vsel vm8, $0x40E00000, v0  }
0x17: {  	vm10 =	vcmask $0x2724;
	s14 =	sor.u32 s7, s10;
	s29 =	sadd.s32 $0xD000, s15;
	[dreg:$0x5] =	wrdreg s0;
	v0 =	vsel vm9, $0x41000000, v0  }
0x18: {  	vm11 =	vcmask $0x2B28;
	s0 =	sshrl.u32 s30, $0x3;
	[dreg:$0x17] =	wrdreg s29;
	s30 =	sadd.s32 $0xE000, s15;
	v0 =	vsel vm10, $0x41100000, v0  }
0x19: {  	vm12 =	vcmask $0x2F2C;
	s14 =	sshrl.u32 s14, $0x3;
	s0 =	sadd.s32 s2, s0;
	[dreg:$0x18] =	wrdreg s30;
	v0 =	vsel vm11, $0x41200000, v0  }
0x1a: {  	vm13 =	vcmask $0x3330;
	s17 =	simm.s32 $0x1;
	s31 =	sadd.s32 s2, s14;
	[dreg:$0x7] =	wrdreg s0;
	v0 =	vsel vm12, $0x41300000, v0  }
0x1b: {  	vm14 =	vcmask $0x3734;
	s18 =	simm.s32 $0x1000;
	s14 =	sadd.s32 $0x2000, s15;
	[dreg:$0x8] =	wrdreg s31;
	v0 =	vsel vm13, $0x41400000, v0  }
0x1c: {  	vm15 =	vcmask $0x3B38;
	s13 =	simm.s32 $0x2;
	[dreg:$0xa] =	wrdreg s14;
	s31 =	sadd.s32 $0xF000, s15;
	v2 =	vsel vm14, $0x41500000, v0  }
0x1d: {  	v1 =	vimm.f32 $0.0e+00;
	s12 =	simm.s32 $0x0;
	s0 =	sor.u32 $0x2000, s7;
	[dreg:$0x19] =	wrdreg s31;
	v0 =	vmov s3;
	v2 =	vsel vm15, $0x41600000, v2  }
.LBB2_1:
0x1e: {  	s3 =	rddreg [dreg:$0x5]  }
0x1f: {  	s11 =	simm.s32 $0x10000;
	s28 =	rddreg [dreg:$0x7]  }
0x20: {  	[tilespmem:s11], [sflag:$0x1] =	stream.linear.gather [hbm4b:s3+s5], $0x1000, $0x38;
	[tilespmem:$0x1B000] =	vst v63  }
0x21: {  	s29 =	simm.s32 $0x12000;
	s30 =	rddreg [dreg:$0x8]  }
0x22: {  	[tilespmem:s29], [sflag:$0x1] =	stream.linear.gather [hbm4b:s28+s5], $0x1000, $0x38;
	[tilespmem:$0x1B000] =	vst v63  }
0x23: {  	s31 =	simm.s32 $0x14000;
	s3 =	simm.s32 $0x40;
	s11 =	simm.s32 $0x0  }
0x24: {  	[tilespmem:s31], [sflag:$0x1] =	stream.linear.gather [hbm4b:s30+s5], $0x1000, $0x38;
	[tilespmem:$0x1B000] =	vst v63  }
.LBB2_2:
0x25: {  	p0 =	sne.s32 s3, $0x3FC0;
	[tilespmem:s11+$0x1A000] =	vst v1;
	s11 =	smov.u32 s3;
	s3 =	sadd.s32 $0x40, s3  }
.Ltmp0:
0x26: {  	(pc) =	sbr.rel @p0 .LBB2_2-.Ltmp0, $2  }
0x27: {  	_ =	sdelay $0x2  }
0x28: {  	s11 =	sshra.s32 s11, $0x2  }
0x29: {  	[dreg:$0x1a] =	wrdreg s12;
	[tilespmem:s11+$0x1A000] =	vst v1;
	s14 =	simm.s32 $0x1A000  }
0x2a: {  	[spmem:s15] =	stream.linear.scatter [tilespmem:s14], [sflag:$0x2], $0x1000, $0x38;
	[tilespmem:$0x1B000] =	vst v63  }
0x2b: {  	s3 =	rddreg [dreg:$0x9]  }
0x2c: {  	[spmem:s3] =	stream.linear.scatter [tilespmem:s14], [sflag:$0x2], $0x1000, $0x38;
	[tilespmem:$0x1B000] =	vst v63  }
0x2d: {  	s15 =	rddreg [dreg:$0xa]  }
0x2e: {  	[spmem:s15] =	stream.linear.scatter [tilespmem:s14], [sflag:$0x2], $0x1000, $0x38;
	[tilespmem:$0x1B000] =	vst v63  }
0x2f: {  	s16 =	rddreg [dreg:$0xb]  }
0x30: {  	[spmem:s16] =	stream.linear.scatter [tilespmem:s14], [sflag:$0x2], $0x1000, $0x38;
	[tilespmem:$0x1B000] =	vst v63  }
0x31: {  	s19 =	rddreg [dreg:$0xc]  }
0x32: {  	[spmem:s19] =	stream.linear.scatter [tilespmem:s14], [sflag:$0x2], $0x1000, $0x38;
	[tilespmem:$0x1B000] =	vst v63  }
0x33: {  	s20 =	rddreg [dreg:$0xd]  }
0x34: {  	[spmem:s20] =	stream.linear.scatter [tilespmem:s14], [sflag:$0x2], $0x1000, $0x38;
	[tilespmem:$0x1B000] =	vst v63  }
0x35: {  	s21 =	rddreg [dreg:$0xe]  }
0x36: {  	[spmem:s21] =	stream.linear.scatter [tilespmem:s14], [sflag:$0x2], $0x1000, $0x38;
	[tilespmem:$0x1B000] =	vst v63  }
0x37: {  	s22 =	rddreg [dreg:$0xf]  }
0x38: {  	[spmem:s22] =	stream.linear.scatter [tilespmem:s14], [sflag:$0x2], $0x1000, $0x38;
	[tilespmem:$0x1B000] =	vst v63  }
0x39: {  	s23 =	rddreg [dreg:$0x10]  }
0x3a: {  	[spmem:s23] =	stream.linear.scatter [tilespmem:s14], [sflag:$0x2], $0x1000, $0x38;
	[tilespmem:$0x1B000] =	vst v63  }
0x3b: {  	s24 =	rddreg [dreg:$0x13]  }
0x3c: {  	[spmem:s24] =	stream.linear.scatter [tilespmem:s14], [sflag:$0x2], $0x1000, $0x38;
	[tilespmem:$0x1B000] =	vst v63  }
0x3d: {  	s25 =	rddreg [dreg:$0x14]  }
0x3e: {  	[spmem:s25] =	stream.linear.scatter [tilespmem:s14], [sflag:$0x2], $0x1000, $0x38;
	[tilespmem:$0x1B000] =	vst v63  }
0x3f: {  	s26 =	rddreg [dreg:$0x15]  }
0x40: {  	[spmem:s26] =	stream.linear.scatter [tilespmem:s14], [sflag:$0x2], $0x1000, $0x38;
	[tilespmem:$0x1B000] =	vst v63  }
0x41: {  	s28 =	rddreg [dreg:$0x16]  }
0x42: {  	[spmem:s28] =	stream.linear.scatter [tilespmem:s14], [sflag:$0x2], $0x1000, $0x38;
	[tilespmem:$0x1B000] =	vst v63  }
0x43: {  	s29 =	rddreg [dreg:$0x17]  }
0x44: {  	[spmem:s29] =	stream.linear.scatter [tilespmem:s14], [sflag:$0x2], $0x1000, $0x38;
	[tilespmem:$0x1B000] =	vst v63  }
0x45: {  	s30 =	rddreg [dreg:$0x18]  }
0x46: {  	[spmem:s30] =	stream.linear.scatter [tilespmem:s14], [sflag:$0x2], $0x1000, $0x38;
	[tilespmem:$0x1B000] =	vst v63  }
0x47: {  	s31 =	rddreg [dreg:$0x19]  }
0x48: {  	[spmem:s31] =	stream.linear.scatter [tilespmem:s14], [sflag:$0x2], $0x1000, $0x38;
	[tilespmem:$0x1B000] =	vst v63  }
0x49: {  	_ =	swait.ge [sflag:s13], $0x1000  }
0x4a: {  	[sflag:s13] =	ssyncset.done $0x0  }
0x4b: {  	[sflag:s13] =	ssyncadd.s32 $0xFFFFF000  }
0x4c: {  	_ =	swait.ge [sflag:s13], $0x1000  }
0x4d: {  	[sflag:s13] =	ssyncset.done $0x0  }
0x4e: {  	[sflag:s13] =	ssyncadd.s32 $0xFFFFF000  }
0x4f: {  	_ =	swait.ge [sflag:s13], $0x1000  }
0x50: {  	[sflag:s13] =	ssyncset.done $0x0  }
0x51: {  	[sflag:s13] =	ssyncadd.s32 $0xFFFFF000  }
0x52: {  	_ =	swait.ge [sflag:s13], $0x1000  }
0x53: {  	[sflag:s13] =	ssyncset.done $0x0  }
0x54: {  	[sflag:s13] =	ssyncadd.s32 $0xFFFFF000  }
0x55: {  	_ =	swait.ge [sflag:s13], $0x1000  }
0x56: {  	[sflag:s13] =	ssyncset.done $0x0  }
0x57: {  	[sflag:s13] =	ssyncadd.s32 $0xFFFFF000  }
0x58: {  	_ =	swait.ge [sflag:s13], $0x1000  }
0x59: {  	[sflag:s13] =	ssyncset.done $0x0  }
0x5a: {  	[sflag:s13] =	ssyncadd.s32 $0xFFFFF000  }
0x5b: {  	_ =	swait.ge [sflag:s13], $0x1000  }
0x5c: {  	[sflag:s13] =	ssyncset.done $0x0  }
0x5d: {  	[sflag:s13] =	ssyncadd.s32 $0xFFFFF000  }
0x5e: {  	_ =	swait.ge [sflag:s13], $0x1000  }
0x5f: {  	[sflag:s13] =	ssyncset.done $0x0  }
0x60: {  	[sflag:s13] =	ssyncadd.s32 $0xFFFFF000  }
0x61: {  	_ =	swait.ge [sflag:s13], $0x1000  }
0x62: {  	[sflag:s13] =	ssyncset.done $0x0  }
0x63: {  	[sflag:s13] =	ssyncadd.s32 $0xFFFFF000  }
0x64: {  	_ =	swait.ge [sflag:s13], $0x1000  }
0x65: {  	[sflag:s13] =	ssyncset.done $0x0  }
0x66: {  	[sflag:s13] =	ssyncadd.s32 $0xFFFFF000  }
0x67: {  	_ =	swait.ge [sflag:s13], $0x1000  }
0x68: {  	[sflag:s13] =	ssyncset.done $0x0  }
0x69: {  	[sflag:s13] =	ssyncadd.s32 $0xFFFFF000  }
0x6a: {  	_ =	swait.ge [sflag:s13], $0x1000  }
0x6b: {  	[sflag:s13] =	ssyncset.done $0x0  }
0x6c: {  	[sflag:s13] =	ssyncadd.s32 $0xFFFFF000  }
0x6d: {  	_ =	swait.ge [sflag:s13], $0x1000  }
0x6e: {  	[sflag:s13] =	ssyncset.done $0x0  }
0x6f: {  	[sflag:s13] =	ssyncadd.s32 $0xFFFFF000  }
0x70: {  	_ =	swait.ge [sflag:s13], $0x1000  }
0x71: {  	[sflag:s13] =	ssyncset.done $0x0  }
0x72: {  	[sflag:s13] =	ssyncadd.s32 $0xFFFFF000  }
0x73: {  	_ =	swait.ge [sflag:s13], $0x1000  }
0x74: {  	[sflag:s13] =	ssyncset.done $0x0  }
0x75: {  	[sflag:s13] =	ssyncadd.s32 $0xFFFFF000  }
0x76: {  	_ =	swait.ge [sflag:s13], $0x1000  }
0x77: {  	[sflag:s13] =	ssyncset.done $0x0  }
0x78: {  	[sflag:s13] =	ssyncadd.s32 $0xFFFFF000  }
0x79: {  	s26 =	simm.s32 $0x0;
	[bflag:$0x0] =	sbarrier.arrive $0xFFFF  }
.LBB2_4:
0x7a: {  	s28 =	sshllo.u32 s26, $0x1  }
0x7b: {  	s3 =	sshll.u32 s28, $0xC  }
0x7c: {  	s3 =	sadd.s32 s7, s3  }
0x7d: {  	s11 =	sor.u32 s6, s3  }
0x7e: {  	s11 =	sshrl.u32 s11, $0x3  }
0x7f: {  	s12 =	simm.s32 $0x11000;
	s23 =	sor.u32 s8, s3;
	s11 =	sadd.s32 s1, s11  }
0x80: {  	[tilespmem:s12], [sflag:$0x1] =	stream.linear.gather [hbm4b:s11+s5], $0x1000, $0x38;
	[tilespmem:$0x1B000] =	vst v63  }
0x81: {  	s3 =	sor.u32 s10, s3;
	s11 =	sshrl.u32 s23, $0x3  }
0x82: {  	s24 =	simm.s32 $0x13000;
	s3 =	sshrl.u32 s3, $0x3;
	s11 =	sadd.s32 s2, s11  }
0x83: {  	[tilespmem:s24], [sflag:$0x1] =	stream.linear.gather [hbm4b:s11+s5], $0x1000, $0x38;
	[tilespmem:$0x1B000] =	vst v63  }
0x84: {  	s25 =	simm.s32 $0x15000;
	s3 =	sadd.s32 s2, s3  }
0x85: {  	[tilespmem:s25], [sflag:$0x1] =	stream.linear.gather [hbm4b:s3+s5], $0x1000, $0x38;
	[tilespmem:$0x1B000] =	vst v63  }
0x86: {  	_ =	swait.ge [sflag:s17], $0x1000  }
0x87: {  	[sflag:s17] =	ssyncset.done $0x0  }
0x88: {  	[sflag:s17] =	ssyncadd.s32 $0xFFFFF000  }
0x89: {  	_ =	swait.ge [sflag:s17], $0x1000  }
0x8a: {  	[sflag:s17] =	ssyncset.done $0x0  }
0x8b: {  	[sflag:s17] =	ssyncadd.s32 $0xFFFFF000  }
0x8c: {  	_ =	swait.ge [sflag:s17], $0x1000  }
0x8d: {  	p0 =	seq.s32 s26, $0x0;
	[sflag:s17] =	ssyncset.done $0x0  }
0x8e: {  	s29 =	simm.s32 $0x0;
	s3 =	simm.s32 @!p0 $0x2;
	[sflag:s17] =	ssyncadd.s32 $0xFFFFF000  }
0x8f: {  	s14 =	sand.u32 $0x18, s29;
	s12 =	simm.s32 $0x0;
	_ =	swait.ge @!p0 [sflag:s3], $0x1000  }
0x90: {  	s11 =	sor.u32 s14, s12;
	[sflag:s3] =	ssyncset.done @!p0 $0x0  }
0x91: {  	s23 =	sshll.u32 s11, $0x7;
	[sflag:s3] =	ssyncadd.s32 @!p0 $0xFFFFF000  }
0x92: {  	v3 =	vld [tilespmem:s23+$0x14070]  }
0x93: {  	v4 =	vld [tilespmem:s23+$0x12070]  }
0x94: {  	s15 =	sshll.u32 s26, $0x4;
	v5 =	vld [tilespmem:s23+$0x14010]  }
0x95: {  	s16 =	simm.s32 $0x0;
	s30 =	sadd.s32 s9, s15;
	v6 =	vld [tilespmem:s23+$0x14020]  }
0x96: {  	s24 =	sadd.s32 $0x0, s30;
	s11 =	sand.u32 $0x180, s16;
	v7 =	vld [tilespmem:s23+$0x14030]  }
0x97: {  	s19 =	sor.u32 $0x10, s11;
	s14 =	sor.u32 $0x70, s11;
	s21 =	sor.u32 $0x20, s11;
	v10 =	vld [tilespmem:s23+$0x14040]  }
0x98: {  	s15 =	sor.u32 $0x30, s11;
	s20 =	scvt.s32.f32 s14;
	s12 =	scvt.s32.f32 s19;
	v14 =	vld [tilespmem:s23+$0x14050]  }
0x99: {  	s16 =	sor.u32 $0x40, s11;
	s14 =	scvt.s32.f32 s21;
	s15 =	scvt.s32.f32 s15;
	v16 =	vld [tilespmem:s23+$0x14060]  }
0x9a: {  	s22 =	scvt.s32.f32 s24;
	s24 =	sor.u32 $0x50, s11;
	s16 =	scvt.s32.f32 s16;
	v9 =	vadd.f32 s20, v2;
	v11 =	vadd.f32 s12, v2;
	v19 =	vld [tilespmem:s23+$0x12010]  }
0x9b: {  	s25 =	sor.u32 $0x60, s11;
	v12 =	vadd.f32 s14, v2;
	v13 =	vadd.f32 s15, v2;
	s12 =	scvt.s32.f32 s24;
	v21 =	vld [tilespmem:s23+$0x12020]  }
0x9c: {  	v15 =	vadd.f32 s16, v2;
	s14 =	scvt.s32.f32 s25;
	v23 =	vld [tilespmem:s23+$0x12030];
	v3 =	vmul.f32 $1.500000000e+01, v3;
	v4 =	vmul.f32 $1.500000000e+01, v4  }
0x9d: {  	v17 =	vadd.f32 s12, v2;
	s3 =	sshll.u32 s11, $0x3;
	s11 =	scvt.s32.f32 s11;
	v24 =	vld [tilespmem:s23+$0x12040];
	v5 =	vmul.f32 $1.500000000e+01, v5;
	v6 =	vmul.f32 $1.500000000e+01, v6  }
0x9e: {  	v18 =	vadd.f32 s14, v2;
	v25 =	vld [tilespmem:s23+$0x12050];
	v20 =	vmul.f32 $1.500000000e+01, v7;
	v10 =	vmul.f32 $1.500000000e+01, v10  }
0x9f: {  	s31 =	sadd.s32 $0x0, s3;
	v26 =	vld [tilespmem:s23+$0x12060];
	v28 =	vadd.f32 s11, v2;
	v14 =	vmul.f32 $1.500000000e+01, v14;
	v16 =	vmul.f32 $1.500000000e+01, v16  }
0xa0: {  	v8 =	vld [tilespmem:s31+$0x14000];
	v19 =	vmul.f32 $1.500000000e+01, v19;
	v21 =	vmul.f32 $1.500000000e+01, v21;
	v3 =	vadd.f32 s22, v3  }
0xa1: {  	v23 =	vmul.f32 $1.500000000e+01, v23;
	v4 =	vadd.f32 v4, v9;
	v30 =	vadd.f32 s22, v5  }
0xa2: {  	v24 =	vmul.f32 $1.500000000e+01, v24;
	v31 =	vadd.f32 s22, v6;
	v20 =	vadd.f32 s22, v20  }
0xa3: {  	v25 =	vmul.f32 $1.500000000e+01, v25;
	v10 =	vadd.f32 s22, v10;
	v14 =	vadd.f32 s22, v14  }
0xa4: {  	v26 =	vmul.f32 $1.500000000e+01, v26;
	v16 =	vadd.f32 s22, v16;
	v11 =	vadd.f32 v19, v11  }
0xa5: {  	v8 =	vmul.f32 $1.500000000e+01, v8;
	v12 =	vadd.f32 v21, v12;
	v13 =	vadd.f32 v23, v13  }
0xa6: {  	v15 =	vadd.f32 v24, v15;
	v17 =	vadd.f32 v25, v17  }
0xa7: {  	v18 =	vadd.f32 v26, v18;
	v29 =	vadd.f32 s22, v8  }
0xa8: {  	v3 =	vadd.f32 $1.258291200e+07, v3;
	v4 =	vadd.f32 $1.258291200e+07, v4  }
0xa9: {  	v54 =	vadd.f32 $1.258291200e+07, v30;
	v55 =	vadd.f32 $1.258291200e+07, v31  }
0xaa: {  	v7 =	vld [tilespmem:s23+$0x10070];
	v20 =	vadd.f32 $1.258291200e+07, v20;
	v10 =	vadd.f32 $1.258291200e+07, v10  }
0xab: {  	v14 =	vadd.f32 $1.258291200e+07, v14;
	v16 =	vadd.f32 $1.258291200e+07, v16  }
0xac: {  	v11 =	vadd.f32 $1.258291200e+07, v11;
	v12 =	vadd.f32 $1.258291200e+07, v12  }
0xad: {  	v13 =	vadd.f32 $1.258291200e+07, v13;
	v15 =	vadd.f32 $1.258291200e+07, v15  }
0xae: {  	v9 =	vld [tilespmem:s31+$0x12000];
	v17 =	vadd.f32 $1.258291200e+07, v17;
	v18 =	vadd.f32 $1.258291200e+07, v18  }
0xaf: {  	v5 =	vld [tilespmem:s23+$0x10040];
	vm1 =	vgt.f32 v7, $1.000000010e-01;
	v19 =	vadd.f32 $1.258291200e+07, v29;
	v3 =	vadd.s32 $0xB4C00000, v3  }
0xb0: {  	v6 =	vld [tilespmem:s23+$0x10050];
	v4 =	vadd.s32 $0xB4C00000, v4;
	v21 =	vadd.s32 $0xB4C00000, v54;
	v23 =	vadd.s32 $0xB4C00000, v55  }
0xb1: {  	v20 =	vadd.s32 $0xB4C00000, v20;
	v10 =	vadd.s32 $0xB4C00000, v10;
	v14 =	vadd.s32 $0xB4C00000, v14  }
0xb2: {  	v16 =	vadd.s32 $0xB4C00000, v16;
	v11 =	vadd.s32 $0xB4C00000, v11;
	v12 =	vadd.s32 $0xB4C00000, v12  }
0xb3: {  	v13 =	vadd.s32 $0xB4C00000, v13;
	v15 =	vadd.s32 $0xB4C00000, v15;
	v62 =	vadd.s32 $0xB4C00000, v17  }
0xb4: {  	v18 =	vadd.s32 $0xB4C00000, v18;
	v22 =	vshll.u32 v3, $0x9;
	v9 =	vmul.f32 $1.500000000e+01, v9  }
0xb5: {  	v3 =	vor.u32 v4, v3;
	vm2 =	vgt.f32 v5, $1.000000010e-01;
	vm3 =	vgt.f32 v6, $1.000000010e-01  }
0xb6: {  	v19 =	vadd.s32 $0xB4C00000, v19;
	v57 =	vshll.u32 v21, $0x9;
	v58 =	vshll.u32 v23, $0x9  }
0xb7: {  	v59 =	vshll.u32 v20, $0x9;
	v60 =	vshll.u32 v10, $0x9;
	v61 =	vshll.u32 v14, $0x9  }
0xb8: {  	v21 =	vor.u32 v11, v21;
	v23 =	vor.u32 v12, v23;
	v20 =	vor.u32 v13, v20  }
0xb9: {  	v32 =	vor.u32 v15, v10;
	v63 =	vor.u32 v62, v14;
	v22 =	vadd.s32 v4, v22  }
0xba: {  	v56 =	vshll.u32 v19, $0x9;
	v25 =	vadd.s32 v11, v57;
	v26 =	vadd.s32 v12, v58  }
0xbb: {  	v29 =	vadd.s32 v15, v60;
	v30 =	vadd.s32 v62, v61;
	v11 =	vor.u32 v18, v16  }
0xbc: {  	vm0 =	vgt.s32 v22, $0x0;
	v9 =	vadd.f32 v9, v28;
	v28 =	vadd.s32 v13, v59  }
0xbd: {  	v8 =	vld [tilespmem:s23+$0x10030];
	vm7 =	vgt.s32 v25, $0x0;
	vm8 =	vgt.s32 v26, $0x0;
	vm10 =	vgt.s32 v29, $0x0  }
0xbe: {  	vm11 =	vgt.s32 v30, $0x0;
	v22 =	vnsel vm0, $0x0, v22;
	vm0 =	vlt.u32 v3, $0x200  }
0xbf: {  	vm9 =	vgt.s32 v28, $0x0;
	v15 =	vnsel vm8, $0x0, v26;
	v13 =	vnsel vm10, $0x0, v29  }
0xc0: {  	v4 =	vld [tilespmem:s31+$0x10000];
	v12 =	vnsel vm11, $0x0, v30;
	vm10 =	vlt.u32 v21, $0x200;
	v9 =	vadd.f32 $1.258291200e+07, v9  }
0xc1: {  	vm8 =	vlt.u32 v20, $0x200;
	v3 =	vmin.u32 v22, $0x3FFFF;
	vm0 =	vmand vm1, vm0  }
0xc2: {  	vm1 =	vgt.f32 v8, $1.000000010e-01;
	v22 =	vor.u32 v0, v3;
	v3 =	vld [tilespmem:s23+$0x10010];
	v9 =	vadd.s32 $0xB4C00000, v9  }
0xc3: {  	v27 =	vnsel vm0, $0x0, v7;
	v7 =	vld [tilespmem:s23+$0x10020];
	v24 =	vadd.s32 v9, v56;
	v9 =	vor.u32 v9, v19  }
0xc4: {  	v14 =	vnsel vm9, $0x0, v28;
	vm9 =	vlt.u32 v23, $0x200;
	vm11 =	vlt.u32 v9, $0x200;
	v9 =	vld [tilespmem:s23+$0x10060]  }
0xc5: {  	vm0 =	vgt.f32 v4, $1.000000010e-01;
	v19 =	vshll.u32 v16, $0x9;
	v16 =	vnsel vm7, $0x0, v25  }
0xc6: {  	s31 =	simm.s32 $0x16040;
	vm7 =	vlt.u32 v32, $0x200;
	v19 =	vadd.s32 v18, v19;
	vm6 =	vgt.s32 v24, $0x0  }
0xc7: {  	s3 =	simm.s32 $0x18040;
	[tilespmem:s31+$0x30] =	vst v22;
	vm12 =	vgt.s32 v19, $0x0;
	v17 =	vnsel vm6, $0x0, v24;
	vm6 =	vlt.u32 v63, $0x200  }
0xc8: {  	[tilespmem:s3+$0x30] =	vst v27;
	s23 =	simm.s32 $0x0;
	vm5 =	vgt.f32 v3, $1.000000010e-01;
	vm4 =	vgt.f32 v7, $1.000000010e-01;
	v10 =	vnsel vm12, $0x0, v19  }
.LBB2_5:
0xc9: {  	s29 =	sadd.s32 $0x8, s29;
	v17 =	vmin.u32 v17, $0x3FFFF;
	vm12 =	vlt.u32 v11, $0x200;
	vm13 =	vgt.f32 v9, $1.000000010e-01  }
0xca: {  	v11 =	vmin.u32 v16, $0x3FFFF;
	v15 =	vmin.u32 v15, $0x3FFFF;
	v14 =	vmin.u32 v14, $0x3FFFF;
	s11 =	sshrl.u32 s29, $0x5;
	s12 =	sand.u32 $0x18, s29;
	p1 =	slt.u32 s29, $0xF8  }
0xcb: {  	v13 =	vmin.u32 v13, $0x3FFFF;
	v12 =	vmin.u32 v12, $0x3FFFF;
	v10 =	vmin.u32 v10, $0x3FFFF;
	s15 =	sshll.u32 s11, $0x7;
	s12 =	sor.u32 s12, s11  }
0xcc: {  	vm11 =	vmand vm0, vm11;
	vm5 =	vmand vm5, vm10;
	vm4 =	vmand vm4, vm9;
	s12 =	sshll.u32 s12, $0x7  }
0xcd: {  	vm8 =	vmand vm1, vm8;
	vm1 =	vmand vm2, vm7;
	vm2 =	vmand vm3, vm6;
	v16 =	vld [tilespmem:s12+$0x14070]  }
0xce: {  	s23 =	sadd.s32 $0x80, s23;
	v17 =	vor.u32 v0, v17;
	v11 =	vor.u32 v0, v11;
	vm0 =	vmand vm13, vm12;
	v18 =	vld [tilespmem:s12+$0x12070]  }
0xcf: {  	s14 =	sand.u32 $0x180, s23;
	v15 =	vor.u32 v0, v15;
	v14 =	vor.u32 v0, v14;
	v13 =	vor.u32 v0, v13;
	v19 =	vld [tilespmem:s12+$0x14010];
	[tilespmem:s31+$0xFFFFFFC0] =	vst v17  }
0xd0: {  	v4 =	vnsel vm11, $0x0, v4;
	v10 =	vor.u32 v0, v10;
	s16 =	sshll.u32 s14, $0x3;
	s19 =	sor.u32 $0x10, s14;
	s24 =	sor.u32 $0x70, s14;
	v17 =	vld [tilespmem:s12+$0x14020];
	[tilespmem:s31+$0xFFFFFFD0] =	vst v11;
	v11 =	vor.u32 v0, v12  }
0xd1: {  	v3 =	vnsel vm5, $0x0, v3;
	s20 =	sadd.s32 s30, s11;
	s11 =	sadd.s32 s15, s16;
	s15 =	scvt.s32.f32 s24;
	v12 =	vld [tilespmem:s12+$0x14030];
	[tilespmem:s3+$0xFFFFFFC0] =	vst v4;
	v4 =	vnsel vm4, $0x0, v7;
	v7 =	vnsel vm8, $0x0, v8  }
0xd2: {  	s24 =	scvt.s32.f32 s20;
	s16 =	sor.u32 $0x20, s14;
	s20 =	sor.u32 $0x30, s14;
	v8 =	vld [tilespmem:s11+$0x14000];
	v16 =	vmul.f32 $1.500000000e+01, v16;
	[tilespmem:s3+$0xFFFFFFD0] =	vst v3;
	v3 =	vnsel vm1, $0x0, v5;
	v5 =	vnsel vm2, $0x0, v6  }
0xd3: {  	s21 =	sor.u32 $0x40, s14;
	s22 =	sor.u32 $0x50, s14;
	s25 =	sor.u32 $0x60, s14;
	v9 =	vnsel vm0, $0x0, v9;
	v20 =	vadd.f32 s15, v2;
	v6 =	vld [tilespmem:s12+$0x14040];
	v18 =	vmul.f32 $1.500000000e+01, v18;
	[tilespmem:s31+$0xFFFFFFE0] =	vst v15  }
0xd4: {  	s16 =	scvt.s32.f32 s16;
	s15 =	scvt.s32.f32 s19;
	v15 =	vmul.f32 $1.500000000e+01, v19;
	v19 =	vld [tilespmem:s12+$0x14050];
	v16 =	vadd.f32 s24, v16;
	[tilespmem:s3+$0xFFFFFFE0] =	vst v4  }
0xd5: {  	s19 =	scvt.s32.f32 s20;
	s20 =	scvt.s32.f32 s21;
	v17 =	vmul.f32 $1.500000000e+01, v17;
	v4 =	vld [tilespmem:s12+$0x14060];
	v18 =	vadd.f32 v18, v20;
	[tilespmem:s31+$0xFFFFFFF0] =	vst v14  }
0xd6: {  	s21 =	scvt.s32.f32 s25;
	v20 =	vadd.f32 s15, v2;
	s15 =	scvt.s32.f32 s22;
	v14 =	vld [tilespmem:s11+$0x12000];
	v12 =	vmul.f32 $1.500000000e+01, v12;
	v16 =	vadd.f32 $1.258291200e+07, v16;
	[tilespmem:s3+$0xFFFFFFF0] =	vst v7  }
0xd7: {  	s14 =	scvt.s32.f32 s14;
	v21 =	vadd.f32 s16, v2;
	v7 =	vmul.f32 $1.500000000e+01, v8;
	v8 =	vld [tilespmem:s12+$0x12010];
	v18 =	vadd.f32 $1.258291200e+07, v18;
	[tilespmem:s31+$0x0] =	vst v13  }
0xd8: {  	v13 =	vadd.f32 s19, v2;
	v6 =	vmul.f32 $1.500000000e+01, v6;
	v22 =	vld [tilespmem:s12+$0x10070];
	v16 =	vadd.s32 $0xB4C00000, v16;
	[tilespmem:s3+$0x0] =	vst v3  }
0xd9: {  	v3 =	vld [tilespmem:s12+$0x12020];
	v19 =	vmul.f32 $1.500000000e+01, v19;
	v18 =	vadd.s32 $0xB4C00000, v18;
	v23 =	vshll.u32 v16, $0x9;
	[tilespmem:s31+$0x10] =	vst v11  }
0xda: {  	v24 =	vadd.f32 s20, v2;
	v11 =	vld [tilespmem:s12+$0x12030];
	v25 =	vmul.f32 $1.500000000e+01, v4;
	v4 =	vadd.s32 v18, v23;
	[tilespmem:s3+$0x10] =	vst v5  }
0xdb: {  	v23 =	vadd.f32 s15, v2;
	v14 =	vmul.f32 $1.500000000e+01, v14;
	v5 =	vld [tilespmem:s12+$0x12040];
	vm0 =	vgt.s32 v4, $0x0;
	[tilespmem:s31+$0x20] =	vst v10  }
0xdc: {  	v10 =	vmul.f32 $1.500000000e+01, v8;
	v26 =	vld [tilespmem:s12+$0x12050];
	v8 =	vor.u32 v18, v16;
	v4 =	vnsel vm0, $0x0, v4;
	[tilespmem:s3+$0x20] =	vst v9  }
0xdd: {  	v9 =	vld [tilespmem:s12+$0x12060];
	vm0 =	vlt.u32 v8, $0x200;
	vm1 =	vgt.f32 v22, $1.000000010e-01;
	v8 =	vmin.u32 v4, $0x3FFFF  }
0xde: {  	s31 =	sadd.s32 $0x80, s31;
	v4 =	vld [tilespmem:s11+$0x10000];
	v16 =	vmul.f32 $1.500000000e+01, v3;
	vm0 =	vmand vm1, vm0;
	v8 =	vor.u32 v0, v8  }
0xdf: {  	v18 =	vadd.f32 s21, v2;
	s3 =	sadd.s32 $0x80, s3;
	v3 =	vld [tilespmem:s12+$0x10010];
	v11 =	vmul.f32 $1.500000000e+01, v11;
	v22 =	vnsel vm0, $0x0, v22;
	[tilespmem:s31+$0x30] =	vst v8  }
0xe0: {  	v27 =	vadd.f32 s14, v2;
	v28 =	vadd.f32 s24, v7;
	v7 =	vld [tilespmem:s12+$0x10020];
	v29 =	vmul.f32 $1.500000000e+01, v5;
	[tilespmem:s3+$0x30] =	vst v22  }
0xe1: {  	v15 =	vadd.f32 s24, v15;
	v17 =	vadd.f32 s24, v17;
	v8 =	vld [tilespmem:s12+$0x10030];
	v22 =	vmul.f32 $1.500000000e+01, v26  }
0xe2: {  	v12 =	vadd.f32 s24, v12;
	v26 =	vadd.f32 s24, v6;
	v5 =	vld [tilespmem:s12+$0x10040];
	v30 =	vmul.f32 $1.500000000e+01, v9  }
0xe3: {  	v19 =	vadd.f32 s24, v19;
	v25 =	vadd.f32 s24, v25;
	vm0 =	vgt.f32 v4, $1.000000010e-01;
	v6 =	vld [tilespmem:s12+$0x10050]  }
0xe4: {  	v14 =	vadd.f32 v14, v27;
	v10 =	vadd.f32 v10, v20;
	vm5 =	vgt.f32 v3, $1.000000010e-01;
	v9 =	vld [tilespmem:s12+$0x10060]  }
0xe5: {  	v16 =	vadd.f32 v16, v21;
	v11 =	vadd.f32 v11, v13;
	vm4 =	vgt.f32 v7, $1.000000010e-01  }
0xe6: {  	v13 =	vadd.f32 v29, v24;
	v20 =	vadd.f32 v22, v23;
	vm1 =	vgt.f32 v8, $1.000000010e-01  }
0xe7: {  	v21 =	vadd.f32 $1.258291200e+07, v28;
	v18 =	vadd.f32 v30, v18;
	vm2 =	vgt.f32 v5, $1.000000010e-01  }
0xe8: {  	v15 =	vadd.f32 $1.258291200e+07, v15;
	v17 =	vadd.f32 $1.258291200e+07, v17;
	vm3 =	vgt.f32 v6, $1.000000010e-01  }
0xe9: {  	v12 =	vadd.f32 $1.258291200e+07, v12;
	v21 =	vadd.s32 $0xB4C00000, v21;
	v22 =	vadd.f32 $1.258291200e+07, v26  }
0xea: {  	v15 =	vadd.s32 $0xB4C00000, v15;
	v19 =	vadd.f32 $1.258291200e+07, v19;
	v23 =	vadd.f32 $1.258291200e+07, v25  }
0xeb: {  	v17 =	vadd.s32 $0xB4C00000, v17;
	v14 =	vadd.f32 $1.258291200e+07, v14;
	v10 =	vadd.f32 $1.258291200e+07, v10  }
0xec: {  	v12 =	vadd.s32 $0xB4C00000, v12;
	v16 =	vadd.f32 $1.258291200e+07, v16;
	v11 =	vadd.f32 $1.258291200e+07, v11  }
0xed: {  	v13 =	vadd.f32 $1.258291200e+07, v13;
	v22 =	vadd.s32 $0xB4C00000, v22;
	v20 =	vadd.f32 $1.258291200e+07, v20  }
0xee: {  	v19 =	vadd.s32 $0xB4C00000, v19;
	v23 =	vadd.s32 $0xB4C00000, v23;
	v18 =	vadd.f32 $1.258291200e+07, v18  }
0xef: {  	v24 =	vshll.u32 v21, $0x9;
	v25 =	vshll.u32 v15, $0x9;
	v26 =	vshll.u32 v17, $0x9  }
0xf0: {  	v27 =	vshll.u32 v12, $0x9;
	v29 =	vshll.u32 v19, $0x9;
	v28 =	vshll.u32 v22, $0x9  }
0xf1: {  	v14 =	vadd.s32 $0xB4C00000, v14;
	v10 =	vadd.s32 $0xB4C00000, v10;
	v30 =	vshll.u32 v23, $0x9  }
0xf2: {  	v16 =	vadd.s32 $0xB4C00000, v16;
	v11 =	vadd.s32 $0xB4C00000, v11;
	v13 =	vadd.s32 $0xB4C00000, v13  }
0xf3: {  	v24 =	vadd.s32 v14, v24;
	v20 =	vadd.s32 $0xB4C00000, v20;
	v18 =	vadd.s32 $0xB4C00000, v18  }
0xf4: {  	v25 =	vadd.s32 v10, v25;
	v26 =	vadd.s32 v16, v26;
	v27 =	vadd.s32 v11, v27  }
0xf5: {  	v28 =	vadd.s32 v13, v28;
	v29 =	vadd.s32 v20, v29;
	v30 =	vadd.s32 v18, v30  }
0xf6: {  	vm6 =	vgt.s32 v24, $0x0;
	vm7 =	vgt.s32 v25, $0x0;
	vm8 =	vgt.s32 v26, $0x0  }
0xf7: {  	vm9 =	vgt.s32 v27, $0x0;
	vm10 =	vgt.s32 v28, $0x0;
	vm11 =	vgt.s32 v29, $0x0  }
0xf8: {  	v21 =	vor.u32 v14, v21;
	v31 =	vor.u32 v10, v15;
	vm12 =	vgt.s32 v30, $0x0  }
0xf9: {  	v32 =	vor.u32 v16, v17;
	v33 =	vor.u32 v11, v12;
	v22 =	vor.u32 v13, v22  }
.Ltmp1:
0xfa: {  	v17 =	vnsel vm6, $0x0, v24;
	v19 =	vor.u32 v20, v19;
	v11 =	vor.u32 v18, v23;
	(pc) =	sbr.rel @p1 .LBB2_5-.Ltmp1, $4  }
0xfb: {  	v16 =	vnsel vm7, $0x0, v25;
	v15 =	vnsel vm8, $0x0, v26;
	v14 =	vnsel vm9, $0x0, v27  }
0xfc: {  	v13 =	vnsel vm10, $0x0, v28;
	v12 =	vnsel vm11, $0x0, v29;
	v10 =	vnsel vm12, $0x0, v30  }
0xfd: {  	vm9 =	vlt.u32 v32, $0x200;
	vm10 =	vlt.u32 v31, $0x200;
	vm11 =	vlt.u32 v21, $0x200  }
0xfe: {  	vm8 =	vlt.u32 v33, $0x200;
	vm7 =	vlt.u32 v22, $0x200;
	vm6 =	vlt.u32 v19, $0x200  }
0xff: {  	v17 =	vmin.u32 v17, $0x3FFFF  }
0x100: {  	v16 =	vmin.u32 v16, $0x3FFFF;
	v17 =	vor.u32 v0, v17  }
0x101: {  	vm0 =	vmand vm0, vm11;
	v16 =	vor.u32 v0, v16;
	[tilespmem:s31+$0xFFFFFFC0] =	vst v17  }
0x102: {  	vm5 =	vmand vm5, vm10;
	v4 =	vnsel vm0, $0x0, v4;
	[tilespmem:s31+$0xFFFFFFD0] =	vst v16  }
0x103: {  	v15 =	vmin.u32 v15, $0x3FFFF;
	v3 =	vnsel vm5, $0x0, v3;
	[tilespmem:s3+$0xFFFFFFC0] =	vst v4  }
0x104: {  	vm0 =	vmand vm4, vm9;
	v4 =	vor.u32 v0, v15;
	[tilespmem:s3+$0xFFFFFFD0] =	vst v3  }
0x105: {  	v7 =	vnsel vm0, $0x0, v7;
	v3 =	vmin.u32 v14, $0x3FFFF;
	[tilespmem:s31+$0xFFFFFFE0] =	vst v4  }
0x106: {  	vm0 =	vmand vm1, vm8;
	v3 =	vor.u32 v0, v3;
	[tilespmem:s3+$0xFFFFFFE0] =	vst v7  }
0x107: {  	v4 =	vmin.u32 v13, $0x3FFFF;
	v7 =	vnsel vm0, $0x0, v8;
	[tilespmem:s31+$0xFFFFFFF0] =	vst v3  }
0x108: {  	vm0 =	vmand vm2, vm7;
	v3 =	vor.u32 v0, v4;
	[tilespmem:s3+$0xFFFFFFF0] =	vst v7  }
0x109: {  	v4 =	vmin.u32 v12, $0x3FFFF;
	v5 =	vnsel vm0, $0x0, v5;
	[tilespmem:s31+$0x0] =	vst v3  }
0x10a: {  	vm1 =	vmand vm3, vm6;
	vm2 =	vgt.f32 v9, $1.000000010e-01;
	v3 =	vor.u32 v0, v4;
	[tilespmem:s3+$0x0] =	vst v5  }
0x10b: {  	vm0 =	vlt.u32 v11, $0x200;
	v4 =	vmin.u32 v10, $0x3FFFF;
	v5 =	vnsel vm1, $0x0, v6;
	[tilespmem:s31+$0x10] =	vst v3  }
0x10c: {  	vm0 =	vmand vm2, vm0;
	v3 =	vor.u32 v0, v4;
	[tilespmem:s3+$0x10] =	vst v5  }
0x10d: {  	p1 =	seq.s32 s26, $0x7;
	v4 =	vnsel vm0, $0x0, v9;
	[tilespmem:s31+$0x20] =	vst v3  }
0x10e: {  	s14 =	simm.s32 $0x16000;
	s11 =	simm.s32 $0x18000;
	[tilespmem:s3+$0x20] =	vst v4;
	s3 =	sshll.u32 @!p1 s26, $0xD  }
0x10f: {  	[spmem:s4] =	stream.indirect.scatter.add.f32 [tilespmem:s11], [sflag:$0x2], $0x1, s14, s18, $0xb8;
	[tilespmem:$0x1B000] =	vst v63  }
0x110: {  	s3 =	sadd.s32 @!p1 s3, s0  }
0x111: {  	s11 =	sadd.s32 @!p1 s6, s3  }
0x112: {  	s11 =	sshrl.u32 @!p1 s11, $0x3  }
0x113: {  	s12 =	simm.s32 @!p1 $0x0;
	s14 =	simm.s32 @!p1 $0x10000;
	s11 =	sadd.s32 @!p1 s1, s11  }
0x114: {  	[tilespmem:s14], [sflag:$0x1] =	stream.linear.gather @!p1 [hbm4b:s11+s12], $0x1000, $0x38;
	[tilespmem:$0x1B000] =	vst v63  }
0x115: {  	s11 =	sor.u32 @!p1 s8, s3  }
0x116: {  	s3 =	sadd.s32 @!p1 s10, s3;
	s11 =	sshrl.u32 @!p1 s11, $0x3  }
0x117: {  	s14 =	simm.s32 @!p1 $0x12000;
	s3 =	sshrl.u32 @!p1 s3, $0x3;
	s11 =	sadd.s32 @!p1 s2, s11  }
0x118: {  	[tilespmem:s14], [sflag:$0x1] =	stream.linear.gather @!p1 [hbm4b:s11+s12], $0x1000, $0x38;
	[tilespmem:$0x1B000] =	vst v63  }
0x119: {  	s3 =	sadd.s32 @!p1 s2, s3;
	s11 =	simm.s32 @!p1 $0x14000  }
0x11a: {  	[tilespmem:s11], [sflag:$0x1] =	stream.linear.gather @!p1 [hbm4b:s3+s12], $0x1000, $0x38;
	[tilespmem:$0x1B000] =	vst v63  }
0x11b: {  	_ =	swait.ge [sflag:s17], $0x1000  }
0x11c: {  	[sflag:s17] =	ssyncset.done $0x0  }
0x11d: {  	[sflag:s17] =	ssyncadd.s32 $0xFFFFF000  }
0x11e: {  	_ =	swait.ge [sflag:s17], $0x1000  }
0x11f: {  	[sflag:s17] =	ssyncset.done $0x0  }
0x120: {  	[sflag:s17] =	ssyncadd.s32 $0xFFFFF000  }
0x121: {  	_ =	swait.ge [sflag:s17], $0x1000  }
0x122: {  	[sflag:s17] =	ssyncset.done $0x0  }
0x123: {  	s29 =	simm.s32 $0x0;
	s3 =	simm.s32 @!p0 $0x2;
	[sflag:s17] =	ssyncadd.s32 $0xFFFFF000  }
0x124: {  	s15 =	simm.s32 $0x0;
	s16 =	sand.u32 $0x18, s29;
	_ =	swait.ge @!p0 [sflag:s3], $0x1000  }
0x125: {  	s11 =	sor.u32 s16, s15;
	[sflag:s3] =	ssyncset.done @!p0 $0x0  }
0x126: {  	s23 =	sshll.u32 s11, $0x7;
	[sflag:s3] =	ssyncadd.s32 @!p0 $0xFFFFF000  }
0x127: {  	v3 =	vld [tilespmem:s23+$0x15070]  }
0x128: {  	s19 =	sshll.u32 s28, $0x3;
	s28 =	simm.s32 $0x0;
	v4 =	vld [tilespmem:s23+$0x13070]  }
0x129: {  	s11 =	sand.u32 $0x180, s28;
	v5 =	vld [tilespmem:s23+$0x15010]  }
0x12a: {  	s20 =	sshll.u32 s11, $0x3;
	v6 =	vld [tilespmem:s23+$0x15020]  }
0x12b: {  	s30 =	sadd.s32 s9, s19;
	s16 =	sadd.s32 $0x0, s20;
	v7 =	vld [tilespmem:s23+$0x15030]  }
0x12c: {  	s21 =	sor.u32 $0x10, s11;
	s22 =	sor.u32 $0x70, s11;
	s25 =	sor.u32 $0x20, s11;
	v8 =	vld [tilespmem:s16+$0x15000]  }
0x12d: {  	s19 =	sor.u32 $0x30, s11;
	s24 =	scvt.s32.f32 s22;
	s12 =	scvt.s32.f32 s21;
	v10 =	vld [tilespmem:s23+$0x15040]  }
0x12e: {  	s20 =	sor.u32 $0x40, s11;
	s14 =	scvt.s32.f32 s25;
	s19 =	scvt.s32.f32 s19;
	v14 =	vld [tilespmem:s23+$0x15050]  }
0x12f: {  	s22 =	sor.u32 $0x50, s11;
	s25 =	sor.u32 $0x60, s11;
	s11 =	scvt.s32.f32 s11;
	v9 =	vadd.f32 s24, v2;
	v11 =	vadd.f32 s12, v2;
	v16 =	vld [tilespmem:s23+$0x15060]  }
0x130: {  	s24 =	scvt.s32.f32 s20;
	v12 =	vadd.f32 s14, v2;
	v13 =	vadd.f32 s19, v2;
	v19 =	vld [tilespmem:s23+$0x13010]  }
0x131: {  	s12 =	scvt.s32.f32 s22;
	v28 =	vadd.f32 s11, v2;
	v21 =	vld [tilespmem:s23+$0x13020];
	v3 =	vmul.f32 $1.500000000e+01, v3;
	v4 =	vmul.f32 $1.500000000e+01, v4  }
0x132: {  	s15 =	sadd.s32 $0x0, s30;
	s14 =	scvt.s32.f32 s25;
	v15 =	vadd.f32 s24, v2;
	v23 =	vld [tilespmem:s23+$0x13030];
	v5 =	vmul.f32 $1.500000000e+01, v5;
	v6 =	vmul.f32 $1.500000000e+01, v6  }
0x133: {  	s21 =	scvt.s32.f32 s15;
	v17 =	vadd.f32 s12, v2;
	v24 =	vld [tilespmem:s23+$0x13040];
	v20 =	vmul.f32 $1.500000000e+01, v7;
	v8 =	vmul.f32 $1.500000000e+01, v8  }
0x134: {  	v18 =	vadd.f32 s14, v2;
	v25 =	vld [tilespmem:s23+$0x13050];
	v10 =	vmul.f32 $1.500000000e+01, v10;
	v14 =	vmul.f32 $1.500000000e+01, v14  }
0x135: {  	v26 =	vld [tilespmem:s23+$0x13060];
	v16 =	vmul.f32 $1.500000000e+01, v16;
	v19 =	vmul.f32 $1.500000000e+01, v19;
	v3 =	vadd.f32 s21, v3  }
0x136: {  	v21 =	vmul.f32 $1.500000000e+01, v21;
	v4 =	vadd.f32 v4, v9;
	v29 =	vadd.f32 s21, v8  }
0x137: {  	v23 =	vmul.f32 $1.500000000e+01, v23;
	v30 =	vadd.f32 s21, v5;
	v31 =	vadd.f32 s21, v6  }
0x138: {  	v24 =	vmul.f32 $1.500000000e+01, v24;
	v20 =	vadd.f32 s21, v20;
	v10 =	vadd.f32 s21, v10  }
0x139: {  	v25 =	vmul.f32 $1.500000000e+01, v25;
	v14 =	vadd.f32 s21, v14;
	v16 =	vadd.f32 s21, v16  }
0x13a: {  	v26 =	vmul.f32 $1.500000000e+01, v26;
	v11 =	vadd.f32 v19, v11;
	v12 =	vadd.f32 v21, v12  }
0x13b: {  	v13 =	vadd.f32 v23, v13;
	v15 =	vadd.f32 v24, v15  }
0x13c: {  	v17 =	vadd.f32 v25, v17;
	v18 =	vadd.f32 v26, v18  }
0x13d: {  	v3 =	vadd.f32 $1.258291200e+07, v3;
	v4 =	vadd.f32 $1.258291200e+07, v4  }
0x13e: {  	v19 =	vadd.f32 $1.258291200e+07, v29;
	v54 =	vadd.f32 $1.258291200e+07, v30  }
0x13f: {  	v7 =	vld [tilespmem:s23+$0x11070];
	v55 =	vadd.f32 $1.258291200e+07, v31;
	v20 =	vadd.f32 $1.258291200e+07, v20  }
0x140: {  	v10 =	vadd.f32 $1.258291200e+07, v10;
	v14 =	vadd.f32 $1.258291200e+07, v14  }
0x141: {  	v16 =	vadd.f32 $1.258291200e+07, v16;
	v11 =	vadd.f32 $1.258291200e+07, v11  }
0x142: {  	v12 =	vadd.f32 $1.258291200e+07, v12;
	v13 =	vadd.f32 $1.258291200e+07, v13  }
0x143: {  	v15 =	vadd.f32 $1.258291200e+07, v15;
	v17 =	vadd.f32 $1.258291200e+07, v17  }
0x144: {  	v9 =	vld [tilespmem:s16+$0x13000];
	v18 =	vadd.f32 $1.258291200e+07, v18;
	vm1 =	vgt.f32 v7, $1.000000010e-01;
	v3 =	vadd.s32 $0xB4C00000, v3  }
0x145: {  	v5 =	vld [tilespmem:s23+$0x11040];
	v4 =	vadd.s32 $0xB4C00000, v4;
	v19 =	vadd.s32 $0xB4C00000, v19;
	v21 =	vadd.s32 $0xB4C00000, v54  }
0x146: {  	v6 =	vld [tilespmem:s23+$0x11050];
	v23 =	vadd.s32 $0xB4C00000, v55;
	v20 =	vadd.s32 $0xB4C00000, v20;
	v10 =	vadd.s32 $0xB4C00000, v10  }
0x147: {  	v14 =	vadd.s32 $0xB4C00000, v14;
	v16 =	vadd.s32 $0xB4C00000, v16;
	v11 =	vadd.s32 $0xB4C00000, v11  }
0x148: {  	v12 =	vadd.s32 $0xB4C00000, v12;
	v13 =	vadd.s32 $0xB4C00000, v13;
	v15 =	vadd.s32 $0xB4C00000, v15  }
0x149: {  	v62 =	vadd.s32 $0xB4C00000, v17;
	v18 =	vadd.s32 $0xB4C00000, v18;
	v22 =	vshll.u32 v3, $0x9  }
0x14a: {  	v9 =	vmul.f32 $1.500000000e+01, v9;
	v3 =	vor.u32 v4, v3;
	vm2 =	vgt.f32 v5, $1.000000010e-01  }
0x14b: {  	vm3 =	vgt.f32 v6, $1.000000010e-01;
	v56 =	vshll.u32 v19, $0x9;
	v57 =	vshll.u32 v21, $0x9  }
0x14c: {  	v58 =	vshll.u32 v23, $0x9;
	v59 =	vshll.u32 v20, $0x9;
	v60 =	vshll.u32 v10, $0x9  }
0x14d: {  	v61 =	vshll.u32 v14, $0x9;
	v21 =	vor.u32 v11, v21;
	v23 =	vor.u32 v12, v23  }
0x14e: {  	v20 =	vor.u32 v13, v20;
	v32 =	vor.u32 v15, v10;
	v63 =	vor.u32 v62, v14  }
0x14f: {  	v22 =	vadd.s32 v4, v22;
	v25 =	vadd.s32 v11, v57;
	v26 =	vadd.s32 v12, v58  }
0x150: {  	v29 =	vadd.s32 v15, v60;
	v30 =	vadd.s32 v62, v61;
	v11 =	vor.u32 v18, v16  }
0x151: {  	vm0 =	vgt.s32 v22, $0x0;
	v9 =	vadd.f32 v9, v28;
	v28 =	vadd.s32 v13, v59  }
0x152: {  	v8 =	vld [tilespmem:s23+$0x11030];
	vm7 =	vgt.s32 v25, $0x0;
	vm8 =	vgt.s32 v26, $0x0;
	vm10 =	vgt.s32 v29, $0x0  }
0x153: {  	vm11 =	vgt.s32 v30, $0x0;
	v22 =	vnsel vm0, $0x0, v22;
	vm0 =	vlt.u32 v3, $0x200  }
0x154: {  	vm9 =	vgt.s32 v28, $0x0;
	v15 =	vnsel vm8, $0x0, v26;
	v13 =	vnsel vm10, $0x0, v29  }
0x155: {  	v4 =	vld [tilespmem:s16+$0x11000];
	v12 =	vnsel vm11, $0x0, v30;
	vm10 =	vlt.u32 v21, $0x200;
	v9 =	vadd.f32 $1.258291200e+07, v9  }
0x156: {  	vm8 =	vlt.u32 v20, $0x200;
	v3 =	vmin.u32 v22, $0x3FFFF;
	vm0 =	vmand vm1, vm0  }
0x157: {  	vm1 =	vgt.f32 v8, $1.000000010e-01;
	v22 =	vor.u32 v0, v3;
	v3 =	vld [tilespmem:s23+$0x11010];
	v9 =	vadd.s32 $0xB4C00000, v9  }
0x158: {  	v27 =	vnsel vm0, $0x0, v7;
	v7 =	vld [tilespmem:s23+$0x11020];
	v24 =	vadd.s32 v9, v56;
	v9 =	vor.u32 v9, v19  }
0x159: {  	v14 =	vnsel vm9, $0x0, v28;
	vm9 =	vlt.u32 v23, $0x200;
	vm11 =	vlt.u32 v9, $0x200;
	v9 =	vld [tilespmem:s23+$0x11060]  }
0x15a: {  	vm0 =	vgt.f32 v4, $1.000000010e-01;
	v19 =	vshll.u32 v16, $0x9;
	v16 =	vnsel vm7, $0x0, v25  }
0x15b: {  	s31 =	simm.s32 $0x17070;
	vm7 =	vlt.u32 v32, $0x200;
	v19 =	vadd.s32 v18, v19;
	vm6 =	vgt.s32 v24, $0x0  }
0x15c: {  	s3 =	simm.s32 $0x19070;
	[tilespmem:s31+$0x0] =	vst v22;
	vm12 =	vgt.s32 v19, $0x0;
	v17 =	vnsel vm6, $0x0, v24;
	vm6 =	vlt.u32 v63, $0x200  }
0x15d: {  	[tilespmem:s3+$0x0] =	vst v27;
	vm5 =	vgt.f32 v3, $1.000000010e-01;
	vm4 =	vgt.f32 v7, $1.000000010e-01;
	v10 =	vnsel vm12, $0x0, v19  }
.LBB2_7:
0x15e: {  	s29 =	sadd.s32 $0x8, s29;
	v17 =	vmin.u32 v17, $0x3FFFF;
	vm12 =	vlt.u32 v11, $0x200;
	vm13 =	vgt.f32 v9, $1.000000010e-01  }
0x15f: {  	v11 =	vmin.u32 v16, $0x3FFFF;
	v15 =	vmin.u32 v15, $0x3FFFF;
	v14 =	vmin.u32 v14, $0x3FFFF;
	s11 =	sshrl.u32 s29, $0x5;
	s12 =	sand.u32 $0x18, s29;
	p0 =	slt.u32 s29, $0xF8  }
0x160: {  	v13 =	vmin.u32 v13, $0x3FFFF;
	v12 =	vmin.u32 v12, $0x3FFFF;
	v10 =	vmin.u32 v10, $0x3FFFF;
	s15 =	sshll.u32 s11, $0x7;
	s12 =	sor.u32 s12, s11  }
0x161: {  	vm11 =	vmand vm0, vm11;
	vm5 =	vmand vm5, vm10;
	vm4 =	vmand vm4, vm9;
	s12 =	sshll.u32 s12, $0x7  }
0x162: {  	vm8 =	vmand vm1, vm8;
	vm1 =	vmand vm2, vm7;
	vm2 =	vmand vm3, vm6;
	v16 =	vld [tilespmem:s12+$0x15070]  }
0x163: {  	s28 =	sadd.s32 $0x80, s28;
	v17 =	vor.u32 v0, v17;
	v11 =	vor.u32 v0, v11;
	vm0 =	vmand vm13, vm12;
	v18 =	vld [tilespmem:s12+$0x13070]  }
0x164: {  	s14 =	sand.u32 $0x180, s28;
	v15 =	vor.u32 v0, v15;
	v14 =	vor.u32 v0, v14;
	v13 =	vor.u32 v0, v13;
	v19 =	vld [tilespmem:s12+$0x15010];
	[tilespmem:s31+$0xFFFFFF90] =	vst v17  }
0x165: {  	v4 =	vnsel vm11, $0x0, v4;
	v10 =	vor.u32 v0, v10;
	s16 =	sshll.u32 s14, $0x3;
	s19 =	sor.u32 $0x10, s14;
	s20 =	sor.u32 $0x70, s14;
	v17 =	vld [tilespmem:s12+$0x15020];
	[tilespmem:s31+$0xFFFFFFA0] =	vst v11;
	v11 =	vor.u32 v0, v12  }
0x166: {  	v3 =	vnsel vm5, $0x0, v3;
	s21 =	sadd.s32 s30, s11;
	s11 =	sadd.s32 s15, s16;
	s15 =	scvt.s32.f32 s20;
	v12 =	vld [tilespmem:s12+$0x15030];
	[tilespmem:s3+$0xFFFFFF90] =	vst v4;
	v4 =	vnsel vm4, $0x0, v7;
	v7 =	vnsel vm8, $0x0, v8  }
0x167: {  	s23 =	scvt.s32.f32 s21;
	s16 =	sor.u32 $0x20, s14;
	s20 =	sor.u32 $0x30, s14;
	v8 =	vld [tilespmem:s11+$0x15000];
	v16 =	vmul.f32 $1.500000000e+01, v16;
	[tilespmem:s3+$0xFFFFFFA0] =	vst v3;
	v3 =	vnsel vm1, $0x0, v5;
	v5 =	vnsel vm2, $0x0, v6  }
0x168: {  	s22 =	sor.u32 $0x50, s14;
	s24 =	sor.u32 $0x60, s14;
	v9 =	vnsel vm0, $0x0, v9;
	s21 =	sor.u32 $0x40, s14;
	v20 =	vadd.f32 s15, v2;
	v6 =	vld [tilespmem:s12+$0x15040];
	v18 =	vmul.f32 $1.500000000e+01, v18;
	[tilespmem:s31+$0xFFFFFFB0] =	vst v15  }
0x169: {  	s16 =	scvt.s32.f32 s16;
	s15 =	scvt.s32.f32 s19;
	v15 =	vmul.f32 $1.500000000e+01, v19;
	v19 =	vld [tilespmem:s12+$0x15050];
	v16 =	vadd.f32 s23, v16;
	[tilespmem:s3+$0xFFFFFFB0] =	vst v4  }
0x16a: {  	s19 =	scvt.s32.f32 s20;
	s20 =	scvt.s32.f32 s21;
	v17 =	vmul.f32 $1.500000000e+01, v17;
	v4 =	vld [tilespmem:s12+$0x15060];
	v18 =	vadd.f32 v18, v20;
	[tilespmem:s31+$0xFFFFFFC0] =	vst v14  }
0x16b: {  	s21 =	scvt.s32.f32 s24;
	v20 =	vadd.f32 s15, v2;
	s15 =	scvt.s32.f32 s22;
	v14 =	vld [tilespmem:s11+$0x13000];
	v12 =	vmul.f32 $1.500000000e+01, v12;
	v16 =	vadd.f32 $1.258291200e+07, v16;
	[tilespmem:s3+$0xFFFFFFC0] =	vst v7  }
0x16c: {  	s14 =	scvt.s32.f32 s14;
	v21 =	vadd.f32 s16, v2;
	v7 =	vmul.f32 $1.500000000e+01, v8;
	v8 =	vld [tilespmem:s12+$0x13010];
	v18 =	vadd.f32 $1.258291200e+07, v18;
	[tilespmem:s31+$0xFFFFFFD0] =	vst v13  }
0x16d: {  	v13 =	vadd.f32 s19, v2;
	v6 =	vmul.f32 $1.500000000e+01, v6;
	v22 =	vld [tilespmem:s12+$0x11070];
	v16 =	vadd.s32 $0xB4C00000, v16;
	[tilespmem:s3+$0xFFFFFFD0] =	vst v3  }
0x16e: {  	v3 =	vld [tilespmem:s12+$0x13020];
	v19 =	vmul.f32 $1.500000000e+01, v19;
	v18 =	vadd.s32 $0xB4C00000, v18;
	v23 =	vshll.u32 v16, $0x9;
	[tilespmem:s31+$0xFFFFFFE0] =	vst v11  }
0x16f: {  	v24 =	vadd.f32 s20, v2;
	v11 =	vld [tilespmem:s12+$0x13030];
	v25 =	vmul.f32 $1.500000000e+01, v4;
	v4 =	vadd.s32 v18, v23;
	[tilespmem:s3+$0xFFFFFFE0] =	vst v5  }
0x170: {  	v23 =	vadd.f32 s15, v2;
	v14 =	vmul.f32 $1.500000000e+01, v14;
	v5 =	vld [tilespmem:s12+$0x13040];
	vm0 =	vgt.s32 v4, $0x0;
	[tilespmem:s31+$0xFFFFFFF0] =	vst v10  }
0x171: {  	v10 =	vmul.f32 $1.500000000e+01, v8;
	v26 =	vld [tilespmem:s12+$0x13050];
	v8 =	vor.u32 v18, v16;
	v4 =	vnsel vm0, $0x0, v4;
	[tilespmem:s3+$0xFFFFFFF0] =	vst v9  }
0x172: {  	v9 =	vld [tilespmem:s12+$0x13060];
	vm0 =	vlt.u32 v8, $0x200;
	vm1 =	vgt.f32 v22, $1.000000010e-01;
	v8 =	vmin.u32 v4, $0x3FFFF  }
0x173: {  	s31 =	sadd.s32 $0x80, s31;
	v4 =	vld [tilespmem:s11+$0x11000];
	v16 =	vmul.f32 $1.500000000e+01, v3;
	vm0 =	vmand vm1, vm0;
	v8 =	vor.u32 v0, v8  }
0x174: {  	v18 =	vadd.f32 s21, v2;
	s3 =	sadd.s32 $0x80, s3;
	v3 =	vld [tilespmem:s12+$0x11010];
	v11 =	vmul.f32 $1.500000000e+01, v11;
	v22 =	vnsel vm0, $0x0, v22;
	[tilespmem:s31+$0x0] =	vst v8  }
0x175: {  	v27 =	vadd.f32 s14, v2;
	v28 =	vadd.f32 s23, v7;
	v7 =	vld [tilespmem:s12+$0x11020];
	v29 =	vmul.f32 $1.500000000e+01, v5;
	[tilespmem:s3+$0x0] =	vst v22  }
0x176: {  	v15 =	vadd.f32 s23, v15;
	v17 =	vadd.f32 s23, v17;
	v8 =	vld [tilespmem:s12+$0x11030];
	v22 =	vmul.f32 $1.500000000e+01, v26  }
0x177: {  	v12 =	vadd.f32 s23, v12;
	v26 =	vadd.f32 s23, v6;
	v5 =	vld [tilespmem:s12+$0x11040];
	v30 =	vmul.f32 $1.500000000e+01, v9  }
0x178: {  	v19 =	vadd.f32 s23, v19;
	v25 =	vadd.f32 s23, v25;
	vm0 =	vgt.f32 v4, $1.000000010e-01;
	v6 =	vld [tilespmem:s12+$0x11050]  }
0x179: {  	v14 =	vadd.f32 v14, v27;
	v10 =	vadd.f32 v10, v20;
	vm5 =	vgt.f32 v3, $1.000000010e-01;
	v9 =	vld [tilespmem:s12+$0x11060]  }
0x17a: {  	v16 =	vadd.f32 v16, v21;
	v11 =	vadd.f32 v11, v13;
	vm4 =	vgt.f32 v7, $1.000000010e-01  }
0x17b: {  	v13 =	vadd.f32 v29, v24;
	v20 =	vadd.f32 v22, v23;
	vm1 =	vgt.f32 v8, $1.000000010e-01  }
0x17c: {  	v21 =	vadd.f32 $1.258291200e+07, v28;
	v18 =	vadd.f32 v30, v18;
	vm2 =	vgt.f32 v5, $1.000000010e-01  }
0x17d: {  	v15 =	vadd.f32 $1.258291200e+07, v15;
	v17 =	vadd.f32 $1.258291200e+07, v17;
	vm3 =	vgt.f32 v6, $1.000000010e-01  }
0x17e: {  	v12 =	vadd.f32 $1.258291200e+07, v12;
	v21 =	vadd.s32 $0xB4C00000, v21;
	v22 =	vadd.f32 $1.258291200e+07, v26  }
0x17f: {  	v15 =	vadd.s32 $0xB4C00000, v15;
	v19 =	vadd.f32 $1.258291200e+07, v19;
	v23 =	vadd.f32 $1.258291200e+07, v25  }
0x180: {  	v17 =	vadd.s32 $0xB4C00000, v17;
	v14 =	vadd.f32 $1.258291200e+07, v14;
	v10 =	vadd.f32 $1.258291200e+07, v10  }
0x181: {  	v12 =	vadd.s32 $0xB4C00000, v12;
	v16 =	vadd.f32 $1.258291200e+07, v16;
	v11 =	vadd.f32 $1.258291200e+07, v11  }
0x182: {  	v13 =	vadd.f32 $1.258291200e+07, v13;
	v22 =	vadd.s32 $0xB4C00000, v22;
	v20 =	vadd.f32 $1.258291200e+07, v20  }
0x183: {  	v19 =	vadd.s32 $0xB4C00000, v19;
	v23 =	vadd.s32 $0xB4C00000, v23;
	v18 =	vadd.f32 $1.258291200e+07, v18  }
0x184: {  	v24 =	vshll.u32 v21, $0x9;
	v25 =	vshll.u32 v15, $0x9;
	v26 =	vshll.u32 v17, $0x9  }
0x185: {  	v27 =	vshll.u32 v12, $0x9;
	v29 =	vshll.u32 v19, $0x9;
	v28 =	vshll.u32 v22, $0x9  }
0x186: {  	v14 =	vadd.s32 $0xB4C00000, v14;
	v10 =	vadd.s32 $0xB4C00000, v10;
	v30 =	vshll.u32 v23, $0x9  }
0x187: {  	v16 =	vadd.s32 $0xB4C00000, v16;
	v11 =	vadd.s32 $0xB4C00000, v11;
	v13 =	vadd.s32 $0xB4C00000, v13  }
0x188: {  	v24 =	vadd.s32 v14, v24;
	v20 =	vadd.s32 $0xB4C00000, v20;
	v18 =	vadd.s32 $0xB4C00000, v18  }
0x189: {  	v25 =	vadd.s32 v10, v25;
	v26 =	vadd.s32 v16, v26;
	v27 =	vadd.s32 v11, v27  }
0x18a: {  	v28 =	vadd.s32 v13, v28;
	v29 =	vadd.s32 v20, v29;
	v30 =	vadd.s32 v18, v30  }
0x18b: {  	vm6 =	vgt.s32 v24, $0x0;
	vm7 =	vgt.s32 v25, $0x0;
	vm8 =	vgt.s32 v26, $0x0  }
0x18c: {  	vm9 =	vgt.s32 v27, $0x0;
	vm10 =	vgt.s32 v28, $0x0;
	vm11 =	vgt.s32 v29, $0x0  }
0x18d: {  	v21 =	vor.u32 v14, v21;
	v31 =	vor.u32 v10, v15;
	vm12 =	vgt.s32 v30, $0x0  }
0x18e: {  	v32 =	vor.u32 v16, v17;
	v33 =	vor.u32 v11, v12;
	v22 =	vor.u32 v13, v22  }
.Ltmp2:
0x18f: {  	v17 =	vnsel vm6, $0x0, v24;
	v19 =	vor.u32 v20, v19;
	v11 =	vor.u32 v18, v23;
	(pc) =	sbr.rel @p0 .LBB2_7-.Ltmp2, $4  }
0x190: {  	v16 =	vnsel vm7, $0x0, v25;
	v15 =	vnsel vm8, $0x0, v26;
	v14 =	vnsel vm9, $0x0, v27  }
0x191: {  	v13 =	vnsel vm10, $0x0, v28;
	v12 =	vnsel vm11, $0x0, v29;
	v10 =	vnsel vm12, $0x0, v30  }
0x192: {  	vm9 =	vlt.u32 v32, $0x200;
	vm10 =	vlt.u32 v31, $0x200;
	vm11 =	vlt.u32 v21, $0x200  }
0x193: {  	vm8 =	vlt.u32 v33, $0x200;
	vm7 =	vlt.u32 v22, $0x200;
	vm6 =	vlt.u32 v19, $0x200  }
0x194: {  	v17 =	vmin.u32 v17, $0x3FFFF  }
0x195: {  	v16 =	vmin.u32 v16, $0x3FFFF;
	v17 =	vor.u32 v0, v17  }
0x196: {  	v15 =	vmin.u32 v15, $0x3FFFF;
	v16 =	vor.u32 v0, v16;
	[tilespmem:s31+$0xFFFFFF90] =	vst v17  }
0x197: {  	vm0 =	vmand vm0, vm11;
	v57 =	vor.u32 v0, v15;
	[tilespmem:s31+$0xFFFFFFA0] =	vst v16  }
0x198: {  	vm5 =	vmand vm5, vm10;
	v4 =	vnsel vm0, $0x0, v4;
	[tilespmem:s31+$0xFFFFFFB0] =	vst v57  }
0x199: {  	vm10 =	vmand vm4, vm9;
	v3 =	vnsel vm5, $0x0, v3;
	[tilespmem:s3+$0xFFFFFF90] =	vst v4  }
0x19a: {  	v7 =	vnsel vm10, $0x0, v7;
	[tilespmem:s3+$0xFFFFFFA0] =	vst v3;
	v3 =	vmin.u32 v14, $0x3FFFF  }
0x19b: {  	vm11 =	vmand vm1, vm8;
	[tilespmem:s3+$0xFFFFFFB0] =	vst v7;
	v3 =	vor.u32 v0, v3  }
0x19c: {  	v58 =	vmin.u32 v13, $0x3FFFF;
	v59 =	vnsel vm11, $0x0, v8;
	[tilespmem:s31+$0xFFFFFFC0] =	vst v3  }
0x19d: {  	vm12 =	vmand vm2, vm7;
	v3 =	vor.u32 v0, v58;
	[tilespmem:s3+$0xFFFFFFC0] =	vst v59  }
0x19e: {  	v60 =	vmin.u32 v12, $0x3FFFF;
	s26 =	sadd.s32 $0x1, s26;
	v5 =	vnsel vm12, $0x0, v5;
	[tilespmem:s31+$0xFFFFFFD0] =	vst v3  }
0x19f: {  	vm13 =	vlt.u32 v11, $0x200;
	vm14 =	vmand vm3, vm6;
	p0 =	sne.s32 s26, $0x8;
	v3 =	vor.u32 v0, v60;
	[tilespmem:s3+$0xFFFFFFD0] =	vst v5  }
.Ltmp3:
0x1a0: {  	vm15 =	vgt.f32 v9, $1.000000010e-01;
	v61 =	vmin.u32 v10, $0x3FFFF;
	v62 =	vnsel vm14, $0x0, v6;
	[tilespmem:s31+$0xFFFFFFE0] =	vst v3;
	(pc) =	sbr.rel @p0 .LBB2_4-.Ltmp3, $4  }
0x1a1: {  	vm0 =	vmand vm15, vm13;
	v3 =	vor.u32 v0, v61;
	[tilespmem:s3+$0xFFFFFFE0] =	vst v62  }
0x1a2: {  	v63 =	vnsel vm0, $0x0, v9;
	[tilespmem:s31+$0xFFFFFFF0] =	vst v3  }
0x1a3: {  	s11 =	simm.s32 $0x19000;
	s31 =	simm.s32 $0x17000;
	[tilespmem:s3+$0xFFFFFFF0] =	vst v63  }
0x1a4: {  	[spmem:s4] =	stream.indirect.scatter.add.f32 [tilespmem:s11], [sflag:$0x2], $0x1, s31, s18, $0xb8;
	[tilespmem:$0x1B000] =	vst v63  }
0x1a5: {  	_ =	swait.ge [sflag:s13], $0x1000  }
0x1a6: {  	[sflag:s13] =	ssyncset.done $0x0  }
0x1a7: {  	[sflag:s13] =	ssyncadd.s32 $0xFFFFF000  }
0x1a8: {  	_ =	swait.ge [sflag:s13], $0x1000  }
0x1a9: {  	[sflag:s13] =	ssyncset.done $0x0  }
0x1aa: {  	[sflag:s13] =	ssyncadd.s32 $0xFFFFF000  }
0x1ab: {  	s3 =	stileid.u32;
	[bflag:$0x0] =	sbarrier.arrive $0xFFFF  }
0x1ac: {  	s29 =	simm.s32 $0x3;
	s3 =	sshll.u32 s3, $0x6;
	s15 =	rddreg [dreg:$0x6]  }
0x1ad: {  	s3 =	sor.u32 $0x1C03, s3;
	s12 =	rddreg [dreg:$0x11];
	s11 =	sshrl.u32 s15, $0x3  }
0x1ae: {  	[hbm:s12], [sflag:s3] =	dma.local [spmem:s11], $0x2000  }
0x1af: {  	_ =	swait.ge [sflag:s29], $0x2000  }
0x1b0: {  	s30 =	rddreg [dreg:$0x1a]  }
0x1b1: {  	s31 =	rddreg [dreg:$0x12];
	s12 =	sadd.s32 $0x1, s30  }
0x1b2: {  	p0 =	sne.s32 s12, s31  }
.Ltmp4:
0x1b3: {  	_ = 	snop;
	(pc) =	sbr.rel @p0 .LBB2_1-.Ltmp4, $3  }
0x1b4: {  	_ =	sdelay $0x1  }
0x1b5: {  	[sflag:s29] =	ssyncset.done $0x0  }
0x1b6: {  	[sflag:s29] =	ssyncadd.s32 $0xFFFFE000  }
0x1b7: {  	_ =	sfence.sel $0x180000  }
0x1b8: {  	[bflag:$0x0] =	sbarrier.arrive $0xFFFF  }
0x1b9: {  	_ =	strace $0x90000047  }
0x1ba: {  	s0 =	stileid.u32;
	[bflag:$0x2] =	sbarrier.arrive $0xFFFF  }
0x1bb: {  	p0 =	sne.s32 s0, $0x0;
	s0 =	rddreg [dreg:$0x4]  }
0x1bc: {  	s0 =	sadd.s32 @!p0 $0x100000, s0  }
0x1bd: {  	[sflag:s0] =	ssyncadd.tile.s32 @!p0 $0x1;
	_ =	shalt  }
.Lfunc_end2:
_tile_overlayer_lowered:
.L_overlay_start_2:
0x1be: {  	(tag) =	ssettag $0x2  }
0x1bf: {  	s0 =	rddreg [dreg:$0x0];
	s2 =	stileid.u32  }
0x1c0: {  	s1 =	rddreg [dreg:$0x1];
	p0 =	sne.s32 s2, $0x0  }
0x1c1: {  	s3 =	rddreg [dreg:$0x2];
	[bflag:$0x3] =	sbarrier.arrive $0xFFFF;
	s2 =	simm.s32 @!p0 $0x1C03  }
0x1c2: {  	[timem:s3], [sflag:s2] =	dma.local @!p0 [hbm:s0], s1  }
0x1c3: {  	s0 =	simm.s32 @!p0 $0x3  }
0x1c4: {  	_ =	swait.ge @!p0 [sflag:s0], s1  }
0x1c5: {  	s1 =	ssub.s32 @!p0 $0x0, s1;
	[sflag:s0] =	ssyncset.done @!p0 $0x0  }
0x1c6: {  	[sflag:s0] =	ssyncadd.s32 @!p0 s1  }
0x1c7: {  	[bflag:$0x3] =	sbarrier.arrive $0xFFFF  }
0x1c8: {  	_ =	shalt  }

</sc_bundles>
